<compile_context>
chip_gen: v7x
topology: tpu7x:2x2x1
jax: 0.10.2.dev20260603
libtpu: 0.0.44.dev20260713+nightly
codegen_flags: <defaults>
</compile_context>

<pallas_src>
import functools

import jax
import jax.numpy as jnp
from jax import lax
from jax.experimental import pallas as pl
from jax.experimental.pallas import tpu as pltpu
from jax.experimental.pallas import tpu_sc as plsc

_NUM_ATTRS = 26
_VOCAB = 100000
_EMBED_DIM = 32
_BATCH = 16384

_NW = 32
_ROWS_PER_W = _NUM_ATTRS * _EMBED_DIM // _NW
_Q = 4096
_NQ = _BATCH // _Q

_mesh = plsc.VectorSubcoreMesh(core_axis_name="c", subcore_axis_name="s")


@functools.partial(
    pl.kernel,
    out_type=jax.ShapeDtypeStruct((_NUM_ATTRS * _EMBED_DIM, _BATCH),
                                  jnp.float32),
    mesh=_mesh,
    scratch_types=[
        pltpu.VMEM((_VOCAB,), jnp.float32),
        pltpu.VMEM((_BATCH,), jnp.int32),
        pltpu.VMEM((2, _Q), jnp.float32),
        pltpu.SemaphoreType.DMA((2,)),
    ],
    compiler_params=pltpu.CompilerParams(needs_layout_passes=False),
)
def _lookup(tup_hbm, tab_hbm, out_hbm, row_v, idx_v, outb_v, osem):
  w = lax.axis_index("s") * 2 + lax.axis_index("c")
  r0 = w * _ROWS_PER_W

  def per_row(i, prev_a):
    r = r0 + i
    a = r // _EMBED_DIM
    e = r % _EMBED_DIM

    @pl.when(a != prev_a)
    def _():
      pltpu.sync_copy(tup_hbm.at[a], idx_v)

    pltpu.sync_copy(tab_hbm.at[a, e], row_v)

    for q in range(_NQ):
      slot = q % 2

      @pl.when(i * _NQ + q >= 2)
      def _():
        pltpu.make_async_copy(
            outb_v.at[slot], out_hbm.at[r, pl.ds(0, _Q)], osem.at[slot]
        ).wait()

      @plsc.parallel_loop(0, _Q // 16, 1, unroll=16)
      def _(k):
        iv = idx_v[pl.ds(q * _Q + k * 16, 16)]
        outb_v[slot, pl.ds(k * 16, 16)] = plsc.load_gather(row_v, [iv])

      pltpu.async_copy(
          outb_v.at[slot], out_hbm.at[r, pl.ds(q * _Q, _Q)], osem.at[slot])
    return a

  lax.fori_loop(0, _ROWS_PER_W, per_row, -1)
  for slot in range(2):
    pltpu.make_async_copy(
        outb_v.at[slot], out_hbm.at[0, pl.ds(0, _Q)], osem.at[slot]).wait()


def kernel(tuples, tables):
  tup_t = tuples.astype(jnp.int32).T
  tab_t = jnp.transpose(tables, (0, 2, 1))
  out_t = _lookup(tup_t, tab_t)
  return out_t.T

# --- scband reference (transcript-rebuilt; emitter-appended) ---
"""Pipeline reference for scband-look-up-model-simple-40690520162565 (READ-ONLY COPY).

The authoritative reference and input builder live on the scoring server;
editing this copy changes nothing except your own understanding.
"""

import jax, jax.numpy as jnp
import numpy as np

NUM_ATTRS = 26
VOCAB = 100000
EMBED_DIM = 32
BATCH = 16384

def setup_inputs(seed: int = 0) -> dict:
    key = jax.random.key(seed)
    k1, k2 = jax.random.split(key)
    # tuples[:, idx] are per-attribute indices into that attribute's embedding table
    tuples = jax.random.randint(k1, (BATCH, NUM_ATTRS), 0, VOCAB, dtype=jnp.int64 if jax.config.jax_enable_x64 else jnp.int32)
    # One embedding table per attribute (AttrEmbedding internal parameters)
    tables = jax.random.normal(k2, (NUM_ATTRS, VOCAB, EMBED_DIM), dtype=jnp.float32) * 0.02
    return {"tuples": tuples, "tables": tables}

def reference(tuples, tables):
    # LookUpModelSimple.get_encodings: for each attribute idx, look up
    # embeddings for tuples[:, idx] in that attribute's table, then
    # concatenate along the feature dimension.
    # Vectorized: gather per-attribute, preserving the concat order.
    attr_ids = jnp.arange(NUM_ATTRS)[None, :]            # [1, NUM_ATTRS]
    emb = tables[attr_ids, tuples]                        # [BATCH, NUM_ATTRS, EMBED_DIM]
    tuple_embed = emb.reshape(tuples.shape[0], NUM_ATTRS * EMBED_DIM)  # concat dim=1
    return tuple_embed

if __name__ == "__main__":
    import jax
    _d = setup_inputs()
    print(jax.jit(kernel)(*tuple(_d.values())))

</pallas_src>

<mosaic_0001>
#map = affine_map<(d0, d1) -> (0, 0)>
#map1 = affine_map<(d0, d1) -> (0, 0, 0)>
module attributes {stable_mosaic.version = 14 : i64} {
  func.func @_lookup(%arg0: i32, %arg1: i32, %arg2: memref<26x16384xi32, #tpu.memory_space<hbm>>, %arg3: memref<26x32x100000xf32, #tpu.memory_space<hbm>>, %arg4: memref<832x16384xf32, #tpu.memory_space<hbm>>, %arg5: memref<100000xf32, #tpu.memory_space<vmem>>, %arg6: memref<16384xi32, #tpu.memory_space<vmem>>, %arg7: memref<2x4096xf32, #tpu.memory_space<vmem>>, %arg8: memref<2x!tpu.dma_semaphore, #tpu.memory_space<semaphore_mem>>) attributes {dimension_semantics = [#tpu.dimension_semantics<core_parallel>, #tpu.dimension_semantics<subcore_parallel>], iteration_bounds = array<i64: 2, 16>, scalar_prefetch = 0 : i64, scratch_operands = 4 : i64, tpu.core_type = #tpu.core_type<sc_vector_subcore>, window_params = [{transform_indices = #map}, {transform_indices = #map1}, {transform_indices = #map}]} {
    %mul3A = arith.constant 2 : i32
    %mul3A_0 = arith.muli %arg1, %mul3A : i32
    %add3A = arith.addi %mul3A_0, %arg0 : i32
    %mul3A_1 = arith.constant 26 : i32
    %mul3A_2 = arith.muli %add3A, %mul3A_1 : i32
    %scan3A = arith.constant -1 : i32
    %scan3A_3 = arith.constant 0 : i32
    %scan3A_4 = arith.constant 26 : i32
    %scan3A_5 = arith.addi %scan3A_3, %scan3A_4 : i32
    %scan3A_6 = arith.constant 1 : i32
    %scan3A_7 = scf.for %scan3A_42 = %scan3A_3 to %scan3A_5 step %scan3A_6 iter_args(%scan3A_43 = %scan3A) -> (i32)  : i32 {
      %add3A_44 = arith.addi %mul3A_2, %scan3A_42 : i32
      %jit3A = arith.constant 32 : i32
      %div3A = arith.divsi %add3A_44, %jit3A : i32
      %sign3A = arith.constant 0 : i32
      %sign3A_45 = arith.cmpi sgt, %add3A_44, %sign3A : i32
      %sign3A_46 = arith.extui %sign3A_45 : i1 to i32
      %sign3A_47 = arith.constant 0 : i32
      %sign3A_48 = arith.cmpi slt, %add3A_44, %sign3A_47 : i32
      %sign3A_49 = arith.extui %sign3A_48 : i1 to i32
      %sign3A_50 = arith.subi %sign3A_46, %sign3A_49 : i32
      %sign3A_51 = arith.constant 0 : i32
      %sign3A_52 = arith.cmpi sgt, %jit3A, %sign3A_51 : i32
      %sign3A_53 = arith.extui %sign3A_52 : i1 to i32
      %sign3A_54 = arith.constant 0 : i32
      %sign3A_55 = arith.cmpi slt, %jit3A, %sign3A_54 : i32
      %sign3A_56 = arith.extui %sign3A_55 : i1 to i32
      %sign3A_57 = arith.subi %sign3A_53, %sign3A_56 : i32
      %ne3A = arith.cmpi ne, %sign3A_50, %sign3A_57 : i32
      %rem3A = arith.remsi %add3A_44, %jit3A : i32
      %ne3A_58 = arith.constant 0 : i32
      %ne3A_59 = arith.cmpi ne, %rem3A, %ne3A_58 : i32
      %and3A = arith.andi %ne3A, %ne3A_59 : i1
      %sub3A = arith.constant 1 : i32
      %sub3A_60 = arith.subi %div3A, %sub3A : i32
      %select_n3A = arith.select %and3A, %sub3A_60, %div3A : i32
      %jit3A_61 = arith.constant 32 : i32
      %eq3A = arith.constant 0 : i32
      %eq3A_62 = arith.cmpi eq, %jit3A_61, %eq3A : i32
      %jit3A_63 = arith.constant 1 : i32
      %select_n3A_64 = arith.select %eq3A_62, %jit3A_63, %jit3A_61 : i32
      %rem3A_65 = arith.remsi %add3A_44, %select_n3A_64 : i32
      %ne3A_66 = arith.constant 0 : i32
      %ne3A_67 = arith.cmpi ne, %rem3A_65, %ne3A_66 : i32
      %lt3A = arith.constant 0 : i32
      %lt3A_68 = arith.cmpi slt, %rem3A_65, %lt3A : i32
      %lt3A_69 = arith.constant 0 : i32
      %lt3A_70 = arith.cmpi slt, %select_n3A_64, %lt3A_69 : i32
      %ne3A_71 = arith.xori %lt3A_68, %lt3A_70 : i1
      %and3A_72 = arith.andi %ne3A_71, %ne3A_67 : i1
      %add3A_73 = arith.addi %rem3A_65, %select_n3A_64 : i32
      %select_n3A_74 = arith.select %and3A_72, %add3A_73, %rem3A_65 : i32
      %ne3A_75 = arith.cmpi ne, %select_n3A, %scan3A_43 : i32
      %convert_element_type3A = arith.extui %ne3A_75 : i1 to i32
      %cond3A = arith.constant 0 : i32
      %cond3A_76 = arith.cmpi ne, %convert_element_type3A, %cond3A : i32
      scf.if %cond3A_76 {
        "tpu.region"() ({
          %run_scoped3A = tpu.sem_alloc : memref<!tpu.dma_semaphore, #tpu.memory_space<semaphore_mem>>
          %dma_start3A_186 = arith.constant 0 : i32
          %dma_start3A_187 = tpu.memref_slice %arg2[%select_n3A, %dma_start3A_186] : memref<26x16384xi32, #tpu.memory_space<hbm>> -> memref<1x16384xi32, #tpu.memory_space<hbm>>
          %dma_start3A_188 = tpu.memref_squeeze %dma_start3A_187 : memref<1x16384xi32, #tpu.memory_space<hbm>> -> memref<16384xi32, #tpu.memory_space<hbm>>
          %dma_start3A_189 = arith.constant 0 : i32
          %dma_start3A_190 = tpu.memref_slice %arg2[%select_n3A, %dma_start3A_189] : memref<26x16384xi32, #tpu.memory_space<hbm>> -> memref<1x16384xi32, #tpu.memory_space<hbm>>
          %dma_start3A_191 = tpu.memref_squeeze %dma_start3A_190 : memref<1x16384xi32, #tpu.memory_space<hbm>> -> memref<16384xi32, #tpu.memory_space<hbm>>
          tpu.enqueue_dma source(%dma_start3A_191 : memref<16384xi32, #tpu.memory_space<hbm>>) target(%arg6 : memref<16384xi32, #tpu.memory_space<vmem>>) target_semaphore(%run_scoped3A : memref<!tpu.dma_semaphore, #tpu.memory_space<semaphore_mem>>)
          %dma_wait3A_192 = arith.constant 0 : i32
          %dma_wait3A_193 = tpu.memref_slice %arg2[%select_n3A, %dma_wait3A_192] : memref<26x16384xi32, #tpu.memory_space<hbm>> -> memref<1x16384xi32, #tpu.memory_space<hbm>>
          %dma_wait3A_194 = tpu.memref_squeeze %dma_wait3A_193 : memref<1x16384xi32, #tpu.memory_space<hbm>> -> memref<16384xi32, #tpu.memory_space<hbm>>
          %dma_wait3A_195 = arith.constant 0 : i32
          %dma_wait3A_196 = tpu.memref_slice %arg2[%select_n3A, %dma_wait3A_195] : memref<26x16384xi32, #tpu.memory_space<hbm>> -> memref<1x16384xi32, #tpu.memory_space<hbm>>
          %dma_wait3A_197 = tpu.memref_squeeze %dma_wait3A_196 : memref<1x16384xi32, #tpu.memory_space<hbm>> -> memref<16384xi32, #tpu.memory_space<hbm>>
          tpu.wait_dma2 semaphore(%run_scoped3A : memref<!tpu.dma_semaphore, #tpu.memory_space<semaphore_mem>>) src(%dma_wait3A_197 : memref<16384xi32, #tpu.memory_space<hbm>>) dst(%arg6 : memref<16384xi32, #tpu.memory_space<vmem>>)
          tpu.yield
        }) : () -> ()
      } else {
      }
      "tpu.region"() ({
        %run_scoped3A = tpu.sem_alloc : memref<!tpu.dma_semaphore, #tpu.memory_space<semaphore_mem>>
        %dma_start3A_186 = arith.constant 0 : i32
        %dma_start3A_187 = tpu.memref_slice %arg3[%select_n3A, %select_n3A_74, %dma_start3A_186] : memref<26x32x100000xf32, #tpu.memory_space<hbm>> -> memref<1x1x100000xf32, #tpu.memory_space<hbm>>
        %dma_start3A_188 = tpu.memref_squeeze %dma_start3A_187 : memref<1x1x100000xf32, #tpu.memory_space<hbm>> -> memref<100000xf32, #tpu.memory_space<hbm>>
        %dma_start3A_189 = arith.constant 0 : i32
        %dma_start3A_190 = tpu.memref_slice %arg3[%select_n3A, %select_n3A_74, %dma_start3A_189] : memref<26x32x100000xf32, #tpu.memory_space<hbm>> -> memref<1x1x100000xf32, #tpu.memory_space<hbm>>
        %dma_start3A_191 = tpu.memref_squeeze %dma_start3A_190 : memref<1x1x100000xf32, #tpu.memory_space<hbm>> -> memref<100000xf32, #tpu.memory_space<hbm>>
        tpu.enqueue_dma source(%dma_start3A_191 : memref<100000xf32, #tpu.memory_space<hbm>>) target(%arg5 : memref<100000xf32, #tpu.memory_space<vmem>>) target_semaphore(%run_scoped3A : memref<!tpu.dma_semaphore, #tpu.memory_space<semaphore_mem>>)
        %dma_wait3A_192 = arith.constant 0 : i32
        %dma_wait3A_193 = tpu.memref_slice %arg3[%select_n3A, %select_n3A_74, %dma_wait3A_192] : memref<26x32x100000xf32, #tpu.memory_space<hbm>> -> memref<1x1x100000xf32, #tpu.memory_space<hbm>>
        %dma_wait3A_194 = tpu.memref_squeeze %dma_wait3A_193 : memref<1x1x100000xf32, #tpu.memory_space<hbm>> -> memref<100000xf32, #tpu.memory_space<hbm>>
        %dma_wait3A_195 = arith.constant 0 : i32
        %dma_wait3A_196 = tpu.memref_slice %arg3[%select_n3A, %select_n3A_74, %dma_wait3A_195] : memref<26x32x100000xf32, #tpu.memory_space<hbm>> -> memref<1x1x100000xf32, #tpu.memory_space<hbm>>
        %dma_wait3A_197 = tpu.memref_squeeze %dma_wait3A_196 : memref<1x1x100000xf32, #tpu.memory_space<hbm>> -> memref<100000xf32, #tpu.memory_space<hbm>>
        tpu.wait_dma2 semaphore(%run_scoped3A : memref<!tpu.dma_semaphore, #tpu.memory_space<semaphore_mem>>) src(%dma_wait3A_197 : memref<100000xf32, #tpu.memory_space<hbm>>) dst(%arg5 : memref<100000xf32, #tpu.memory_space<vmem>>)
        tpu.yield
      }) : () -> ()
      %mul3A_77 = arith.constant 4 : i32
      %mul3A_78 = arith.muli %scan3A_42, %mul3A_77 : i32
      %add3A_79 = arith.constant 0 : i32
      %add3A_80 = arith.addi %mul3A_78, %add3A_79 : i32
      %ge3A = arith.constant 2 : i32
      %ge3A_81 = arith.cmpi sge, %add3A_80, %ge3A : i32
      %convert_element_type3A_82 = arith.extui %ge3A_81 : i1 to i32
      %cond3A_83 = arith.constant 0 : i32
      %cond3A_84 = arith.cmpi ne, %convert_element_type3A_82, %cond3A_83 : i32
      scf.if %cond3A_84 {
        %dma_wait3A_186 = arith.constant 0 : i32
        %dma_wait3A_187 = arith.constant 0 : i32
        %dma_wait3A_188 = arith.constant 0 : i32
        %dma_wait3A_189 = tpu.memref_slice %arg7[%dma_wait3A_186, %dma_wait3A_188] : memref<2x4096xf32, #tpu.memory_space<vmem>> -> memref<1x4096xf32, #tpu.memory_space<vmem>>
        %dma_wait3A_190 = tpu.memref_squeeze %dma_wait3A_189 : memref<1x4096xf32, #tpu.memory_space<vmem>> -> memref<4096xf32, #tpu.memory_space<vmem>>
        %dma_wait3A_191 = arith.constant 0 : i32
        %dma_wait3A_192 = tpu.memref_slice %arg4[%add3A_44, %dma_wait3A_191] : memref<832x16384xf32, #tpu.memory_space<hbm>> -> memref<1x4096xf32, #tpu.memory_space<hbm>>
        %dma_wait3A_193 = tpu.memref_squeeze %dma_wait3A_192 : memref<1x4096xf32, #tpu.memory_space<hbm>> -> memref<4096xf32, #tpu.memory_space<hbm>>
        %dma_wait3A_194 = tpu.memref_slice %arg8[%dma_wait3A_187] : memref<2x!tpu.dma_semaphore, #tpu.memory_space<semaphore_mem>> -> memref<1x!tpu.dma_semaphore, #tpu.memory_space<semaphore_mem>>
        %dma_wait3A_195 = tpu.memref_squeeze %dma_wait3A_194 : memref<1x!tpu.dma_semaphore, #tpu.memory_space<semaphore_mem>> -> memref<!tpu.dma_semaphore, #tpu.memory_space<semaphore_mem>>
        %dma_wait3A_196 = arith.constant 0 : i32
        %dma_wait3A_197 = tpu.memref_slice %arg4[%add3A_44, %dma_wait3A_196] : memref<832x16384xf32, #tpu.memory_space<hbm>> -> memref<1x4096xf32, #tpu.memory_space<hbm>>
        %dma_wait3A_198 = tpu.memref_squeeze %dma_wait3A_197 : memref<1x4096xf32, #tpu.memory_space<hbm>> -> memref<4096xf32, #tpu.memory_space<hbm>>
        %dma_wait3A_199 = arith.constant 0 : i32
        %dma_wait3A_200 = tpu.memref_slice %arg7[%dma_wait3A_186, %dma_wait3A_199] : memref<2x4096xf32, #tpu.memory_space<vmem>> -> memref<1x4096xf32, #tpu.memory_space<vmem>>
        %dma_wait3A_201 = tpu.memref_squeeze %dma_wait3A_200 : memref<1x4096xf32, #tpu.memory_space<vmem>> -> memref<4096xf32, #tpu.memory_space<vmem>>
        tpu.wait_dma2 semaphore(%dma_wait3A_195 : memref<!tpu.dma_semaphore, #tpu.memory_space<semaphore_mem>>) src(%dma_wait3A_201 : memref<4096xf32, #tpu.memory_space<vmem>>) dst(%dma_wait3A_198 : memref<4096xf32, #tpu.memory_space<hbm>>)
      } else {
      }
      %parallel_loop3A = arith.constant 0 : i32
      %parallel_loop3A_85 = arith.constant 256 : i32
      %parallel_loop3A_86 = arith.constant 1 : i32
      scf.for %parallel_loop3A_186 = %parallel_loop3A to %parallel_loop3A_85 step %parallel_loop3A_86  : i32 {
        %parallel_loop3A_187 = arith.constant 16 : i32
        %parallel_loop3A_188 = arith.muli %parallel_loop3A_186, %parallel_loop3A_187 : i32
        %parallel_loop3A_189 = arith.constant 0 : i32
        %parallel_loop3A_190 = arith.addi %parallel_loop3A_189, %parallel_loop3A_188 : i32
        %parallel_loop3A_191 = arith.index_cast %parallel_loop3A_190 : i32 to index
        %parallel_loop3A_192 = tpu.vector_load %arg6[%parallel_loop3A_191] {strides = array<i32>} : memref<16384xi32, #tpu.memory_space<vmem>>, vector<16xi32>,
        %parallel_loop3A_193 = tpu.vector_load_idx %arg5[%parallel_loop3A_192] : memref<100000xf32, #tpu.memory_space<vmem>>[vector<16xi32>], vector<16xf32>,
        %parallel_loop3A_194 = arith.constant 16 : i32
        %parallel_loop3A_195 = arith.muli %parallel_loop3A_186, %parallel_loop3A_194 : i32
        %parallel_loop3A_196 = arith.constant 0 : i32
        %parallel_loop3A_197 = arith.index_cast %parallel_loop3A_196 : i32 to index
        %parallel_loop3A_198 = arith.index_cast %parallel_loop3A_195 : i32 to index
        %parallel_loop3A_199 = tpu.vector_load %arg7[%parallel_loop3A_197, %parallel_loop3A_198] {strides = array<i32>} : memref<2x4096xf32, #tpu.memory_space<vmem>>, vector<16xf32>,
        tpu.vector_store %arg7[%parallel_loop3A_197, %parallel_loop3A_198], %parallel_loop3A_193 {strides = array<i32>} : memref<2x4096xf32, #tpu.memory_space<vmem>>, vector<16xf32>,
      } {sc.loop_unroll_factor = 16 : i64, sc.parallel_access}
      %dma_start3A = arith.constant 0 : i32
      %dma_start3A_87 = arith.constant 0 : i32
      %dma_start3A_88 = arith.constant 0 : i32
      %dma_start3A_89 = tpu.memref_slice %arg7[%dma_start3A, %dma_start3A_88] : memref<2x4096xf32, #tpu.memory_space<vmem>> -> memref<1x4096xf32, #tpu.memory_space<vmem>>
      %dma_start3A_90 = tpu.memref_squeeze %dma_start3A_89 : memref<1x4096xf32, #tpu.memory_space<vmem>> -> memref<4096xf32, #tpu.memory_space<vmem>>
      %dma_start3A_91 = arith.constant 0 : i32
      %dma_start3A_92 = tpu.memref_slice %arg4[%add3A_44, %dma_start3A_91] : memref<832x16384xf32, #tpu.memory_space<hbm>> -> memref<1x4096xf32, #tpu.memory_space<hbm>>
      %dma_start3A_93 = tpu.memref_squeeze %dma_start3A_92 : memref<1x4096xf32, #tpu.memory_space<hbm>> -> memref<4096xf32, #tpu.memory_space<hbm>>
      %dma_start3A_94 = tpu.memref_slice %arg8[%dma_start3A_87] : memref<2x!tpu.dma_semaphore, #tpu.memory_space<semaphore_mem>> -> memref<1x!tpu.dma_semaphore, #tpu.memory_space<semaphore_mem>>
      %dma_start3A_95 = tpu.memref_squeeze %dma_start3A_94 : memref<1x!tpu.dma_semaphore, #tpu.memory_space<semaphore_mem>> -> memref<!tpu.dma_semaphore, #tpu.memory_space<semaphore_mem>>
      %dma_start3A_96 = arith.constant 0 : i32
      %dma_start3A_97 = tpu.memref_slice %arg4[%add3A_44, %dma_start3A_96] : memref<832x16384xf32, #tpu.memory_space<hbm>> -> memref<1x4096xf32, #tpu.memory_space<hbm>>
      %dma_start3A_98 = tpu.memref_squeeze %dma_start3A_97 : memref<1x4096xf32, #tpu.memory_space<hbm>> -> memref<4096xf32, #tpu.memory_space<hbm>>
      %dma_start3A_99 = arith.constant 0 : i32
      %dma_start3A_100 = tpu.memref_slice %arg7[%dma_start3A, %dma_start3A_99] : memref<2x4096xf32, #tpu.memory_space<vmem>> -> memref<1x4096xf32, #tpu.memory_space<vmem>>
      %dma_start3A_101 = tpu.memref_squeeze %dma_start3A_100 : memref<1x4096xf32, #tpu.memory_space<vmem>> -> memref<4096xf32, #tpu.memory_space<vmem>>
      tpu.enqueue_dma source(%dma_start3A_101 : memref<4096xf32, #tpu.memory_space<vmem>>) target(%dma_start3A_98 : memref<4096xf32, #tpu.memory_space<hbm>>) target_semaphore(%dma_start3A_95 : memref<!tpu.dma_semaphore, #tpu.memory_space<semaphore_mem>>)
      %mul3A_102 = arith.constant 4 : i32
      %mul3A_103 = arith.muli %scan3A_42, %mul3A_102 : i32
      %add3A_104 = arith.constant 1 : i32
      %add3A_105 = arith.addi %mul3A_103, %add3A_104 : i32
      %ge3A_106 = arith.constant 2 : i32
      %ge3A_107 = arith.cmpi sge, %add3A_105, %ge3A_106 : i32
      %convert_element_type3A_108 = arith.extui %ge3A_107 : i1 to i32
      %cond3A_109 = arith.constant 0 : i32
      %cond3A_110 = arith.cmpi ne, %convert_element_type3A_108, %cond3A_109 : i32
      scf.if %cond3A_110 {
        %dma_wait3A_186 = arith.constant 1 : i32
        %dma_wait3A_187 = arith.constant 1 : i32
        %dma_wait3A_188 = arith.constant 0 : i32
        %dma_wait3A_189 = tpu.memref_slice %arg7[%dma_wait3A_186, %dma_wait3A_188] : memref<2x4096xf32, #tpu.memory_space<vmem>> -> memref<1x4096xf32, #tpu.memory_space<vmem>>
        %dma_wait3A_190 = tpu.memref_squeeze %dma_wait3A_189 : memref<1x4096xf32, #tpu.memory_space<vmem>> -> memref<4096xf32, #tpu.memory_space<vmem>>
        %dma_wait3A_191 = arith.constant 0 : i32
        %dma_wait3A_192 = tpu.memref_slice %arg4[%add3A_44, %dma_wait3A_191] : memref<832x16384xf32, #tpu.memory_space<hbm>> -> memref<1x4096xf32, #tpu.memory_space<hbm>>
        %dma_wait3A_193 = tpu.memref_squeeze %dma_wait3A_192 : memref<1x4096xf32, #tpu.memory_space<hbm>> -> memref<4096xf32, #tpu.memory_space<hbm>>
        %dma_wait3A_194 = tpu.memref_slice %arg8[%dma_wait3A_187] : memref<2x!tpu.dma_semaphore, #tpu.memory_space<semaphore_mem>> -> memref<1x!tpu.dma_semaphore, #tpu.memory_space<semaphore_mem>>
        %dma_wait3A_195 = tpu.memref_squeeze %dma_wait3A_194 : memref<1x!tpu.dma_semaphore, #tpu.memory_space<semaphore_mem>> -> memref<!tpu.dma_semaphore, #tpu.memory_space<semaphore_mem>>
        %dma_wait3A_196 = arith.constant 0 : i32
        %dma_wait3A_197 = tpu.memref_slice %arg4[%add3A_44, %dma_wait3A_196] : memref<832x16384xf32, #tpu.memory_space<hbm>> -> memref<1x4096xf32, #tpu.memory_space<hbm>>
        %dma_wait3A_198 = tpu.memref_squeeze %dma_wait3A_197 : memref<1x4096xf32, #tpu.memory_space<hbm>> -> memref<4096xf32, #tpu.memory_space<hbm>>
        %dma_wait3A_199 = arith.constant 0 : i32
        %dma_wait3A_200 = tpu.memref_slice %arg7[%dma_wait3A_186, %dma_wait3A_199] : memref<2x4096xf32, #tpu.memory_space<vmem>> -> memref<1x4096xf32, #tpu.memory_space<vmem>>
        %dma_wait3A_201 = tpu.memref_squeeze %dma_wait3A_200 : memref<1x4096xf32, #tpu.memory_space<vmem>> -> memref<4096xf32, #tpu.memory_space<vmem>>
        tpu.wait_dma2 semaphore(%dma_wait3A_195 : memref<!tpu.dma_semaphore, #tpu.memory_space<semaphore_mem>>) src(%dma_wait3A_201 : memref<4096xf32, #tpu.memory_space<vmem>>) dst(%dma_wait3A_198 : memref<4096xf32, #tpu.memory_space<hbm>>)
      } else {
      }
      %parallel_loop3A_111 = arith.constant 0 : i32
      %parallel_loop3A_112 = arith.constant 256 : i32
      %parallel_loop3A_113 = arith.constant 1 : i32
      scf.for %parallel_loop3A_186 = %parallel_loop3A_111 to %parallel_loop3A_112 step %parallel_loop3A_113  : i32 {
        %parallel_loop3A_187 = arith.constant 16 : i32
        %parallel_loop3A_188 = arith.muli %parallel_loop3A_186, %parallel_loop3A_187 : i32
        %parallel_loop3A_189 = arith.constant 4096 : i32
        %parallel_loop3A_190 = arith.addi %parallel_loop3A_189, %parallel_loop3A_188 : i32
        %parallel_loop3A_191 = arith.index_cast %parallel_loop3A_190 : i32 to index
        %parallel_loop3A_192 = tpu.vector_load %arg6[%parallel_loop3A_191] {strides = array<i32>} : memref<16384xi32, #tpu.memory_space<vmem>>, vector<16xi32>,
        %parallel_loop3A_193 = tpu.vector_load_idx %arg5[%parallel_loop3A_192] : memref<100000xf32, #tpu.memory_space<vmem>>[vector<16xi32>], vector<16xf32>,
        %parallel_loop3A_194 = arith.constant 16 : i32
        %parallel_loop3A_195 = arith.muli %parallel_loop3A_186, %parallel_loop3A_194 : i32
        %parallel_loop3A_196 = arith.constant 1 : i32
        %parallel_loop3A_197 = arith.index_cast %parallel_loop3A_196 : i32 to index
        %parallel_loop3A_198 = arith.index_cast %parallel_loop3A_195 : i32 to index
        %parallel_loop3A_199 = tpu.vector_load %arg7[%parallel_loop3A_197, %parallel_loop3A_198] {strides = array<i32>} : memref<2x4096xf32, #tpu.memory_space<vmem>>, vector<16xf32>,
        tpu.vector_store %arg7[%parallel_loop3A_197, %parallel_loop3A_198], %parallel_loop3A_193 {strides = array<i32>} : memref<2x4096xf32, #tpu.memory_space<vmem>>, vector<16xf32>,
      } {sc.loop_unroll_factor = 16 : i64, sc.parallel_access}
      %dma_start3A_114 = arith.constant 1 : i32
      %dma_start3A_115 = arith.constant 1 : i32
      %dma_start3A_116 = arith.constant 0 : i32
      %dma_start3A_117 = tpu.memref_slice %arg7[%dma_start3A_114, %dma_start3A_116] : memref<2x4096xf32, #tpu.memory_space<vmem>> -> memref<1x4096xf32, #tpu.memory_space<vmem>>
      %dma_start3A_118 = tpu.memref_squeeze %dma_start3A_117 : memref<1x4096xf32, #tpu.memory_space<vmem>> -> memref<4096xf32, #tpu.memory_space<vmem>>
      %dma_start3A_119 = arith.constant 4096 : i32
      %dma_start3A_120 = tpu.memref_slice %arg4[%add3A_44, %dma_start3A_119] : memref<832x16384xf32, #tpu.memory_space<hbm>> -> memref<1x4096xf32, #tpu.memory_space<hbm>>
      %dma_start3A_121 = tpu.memref_squeeze %dma_start3A_120 : memref<1x4096xf32, #tpu.memory_space<hbm>> -> memref<4096xf32, #tpu.memory_space<hbm>>
      %dma_start3A_122 = tpu.memref_slice %arg8[%dma_start3A_115] : memref<2x!tpu.dma_semaphore, #tpu.memory_space<semaphore_mem>> -> memref<1x!tpu.dma_semaphore, #tpu.memory_space<semaphore_mem>>
      %dma_start3A_123 = tpu.memref_squeeze %dma_start3A_122 : memref<1x!tpu.dma_semaphore, #tpu.memory_space<semaphore_mem>> -> memref<!tpu.dma_semaphore, #tpu.memory_space<semaphore_mem>>
      %dma_start3A_124 = arith.constant 4096 : i32
      %dma_start3A_125 = tpu.memref_slice %arg4[%add3A_44, %dma_start3A_124] : memref<832x16384xf32, #tpu.memory_space<hbm>> -> memref<1x4096xf32, #tpu.memory_space<hbm>>
      %dma_start3A_126 = tpu.memref_squeeze %dma_start3A_125 : memref<1x4096xf32, #tpu.memory_space<hbm>> -> memref<4096xf32, #tpu.memory_space<hbm>>
      %dma_start3A_127 = arith.constant 0 : i32
      %dma_start3A_128 = tpu.memref_slice %arg7[%dma_start3A_114, %dma_start3A_127] : memref<2x4096xf32, #tpu.memory_space<vmem>> -> memref<1x4096xf32, #tpu.memory_space<vmem>>
      %dma_start3A_129 = tpu.memref_squeeze %dma_start3A_128 : memref<1x4096xf32, #tpu.memory_space<vmem>> -> memref<4096xf32, #tpu.memory_space<vmem>>
      tpu.enqueue_dma source(%dma_start3A_129 : memref<4096xf32, #tpu.memory_space<vmem>>) target(%dma_start3A_126 : memref<4096xf32, #tpu.memory_space<hbm>>) target_semaphore(%dma_start3A_123 : memref<!tpu.dma_semaphore, #tpu.memory_space<semaphore_mem>>)
      %mul3A_130 = arith.constant 4 : i32
      %mul3A_131 = arith.muli %scan3A_42, %mul3A_130 : i32
      %add3A_132 = arith.constant 2 : i32
      %add3A_133 = arith.addi %mul3A_131, %add3A_132 : i32
      %ge3A_134 = arith.constant 2 : i32
      %ge3A_135 = arith.cmpi sge, %add3A_133, %ge3A_134 : i32
      %convert_element_type3A_136 = arith.extui %ge3A_135 : i1 to i32
      %cond3A_137 = arith.constant 0 : i32
      %cond3A_138 = arith.cmpi ne, %convert_element_type3A_136, %cond3A_137 : i32
      scf.if %cond3A_138 {
        %dma_wait3A_186 = arith.constant 0 : i32
        %dma_wait3A_187 = arith.constant 0 : i32
        %dma_wait3A_188 = arith.constant 0 : i32
        %dma_wait3A_189 = tpu.memref_slice %arg7[%dma_wait3A_186, %dma_wait3A_188] : memref<2x4096xf32, #tpu.memory_space<vmem>> -> memref<1x4096xf32, #tpu.memory_space<vmem>>
        %dma_wait3A_190 = tpu.memref_squeeze %dma_wait3A_189 : memref<1x4096xf32, #tpu.memory_space<vmem>> -> memref<4096xf32, #tpu.memory_space<vmem>>
        %dma_wait3A_191 = arith.constant 0 : i32
        %dma_wait3A_192 = tpu.memref_slice %arg4[%add3A_44, %dma_wait3A_191] : memref<832x16384xf32, #tpu.memory_space<hbm>> -> memref<1x4096xf32, #tpu.memory_space<hbm>>
        %dma_wait3A_193 = tpu.memref_squeeze %dma_wait3A_192 : memref<1x4096xf32, #tpu.memory_space<hbm>> -> memref<4096xf32, #tpu.memory_space<hbm>>
        %dma_wait3A_194 = tpu.memref_slice %arg8[%dma_wait3A_187] : memref<2x!tpu.dma_semaphore, #tpu.memory_space<semaphore_mem>> -> memref<1x!tpu.dma_semaphore, #tpu.memory_space<semaphore_mem>>
        %dma_wait3A_195 = tpu.memref_squeeze %dma_wait3A_194 : memref<1x!tpu.dma_semaphore, #tpu.memory_space<semaphore_mem>> -> memref<!tpu.dma_semaphore, #tpu.memory_space<semaphore_mem>>
        %dma_wait3A_196 = arith.constant 0 : i32
        %dma_wait3A_197 = tpu.memref_slice %arg4[%add3A_44, %dma_wait3A_196] : memref<832x16384xf32, #tpu.memory_space<hbm>> -> memref<1x4096xf32, #tpu.memory_space<hbm>>
        %dma_wait3A_198 = tpu.memref_squeeze %dma_wait3A_197 : memref<1x4096xf32, #tpu.memory_space<hbm>> -> memref<4096xf32, #tpu.memory_space<hbm>>
        %dma_wait3A_199 = arith.constant 0 : i32
        %dma_wait3A_200 = tpu.memref_slice %arg7[%dma_wait3A_186, %dma_wait3A_199] : memref<2x4096xf32, #tpu.memory_space<vmem>> -> memref<1x4096xf32, #tpu.memory_space<vmem>>
        %dma_wait3A_201 = tpu.memref_squeeze %dma_wait3A_200 : memref<1x4096xf32, #tpu.memory_space<vmem>> -> memref<4096xf32, #tpu.memory_space<vmem>>
        tpu.wait_dma2 semaphore(%dma_wait3A_195 : memref<!tpu.dma_semaphore, #tpu.memory_space<semaphore_mem>>) src(%dma_wait3A_201 : memref<4096xf32, #tpu.memory_space<vmem>>) dst(%dma_wait3A_198 : memref<4096xf32, #tpu.memory_space<hbm>>)
      } else {
      }
      %parallel_loop3A_139 = arith.constant 0 : i32
      %parallel_loop3A_140 = arith.constant 256 : i32
      %parallel_loop3A_141 = arith.constant 1 : i32
      scf.for %parallel_loop3A_186 = %parallel_loop3A_139 to %parallel_loop3A_140 step %parallel_loop3A_141  : i32 {
        %parallel_loop3A_187 = arith.constant 16 : i32
        %parallel_loop3A_188 = arith.muli %parallel_loop3A_186, %parallel_loop3A_187 : i32
        %parallel_loop3A_189 = arith.constant 8192 : i32
        %parallel_loop3A_190 = arith.addi %parallel_loop3A_189, %parallel_loop3A_188 : i32
        %parallel_loop3A_191 = arith.index_cast %parallel_loop3A_190 : i32 to index
        %parallel_loop3A_192 = tpu.vector_load %arg6[%parallel_loop3A_191] {strides = array<i32>} : memref<16384xi32, #tpu.memory_space<vmem>>, vector<16xi32>,
        %parallel_loop3A_193 = tpu.vector_load_idx %arg5[%parallel_loop3A_192] : memref<100000xf32, #tpu.memory_space<vmem>>[vector<16xi32>], vector<16xf32>,
        %parallel_loop3A_194 = arith.constant 16 : i32
        %parallel_loop3A_195 = arith.muli %parallel_loop3A_186, %parallel_loop3A_194 : i32
        %parallel_loop3A_196 = arith.constant 0 : i32
        %parallel_loop3A_197 = arith.index_cast %parallel_loop3A_196 : i32 to index
        %parallel_loop3A_198 = arith.index_cast %parallel_loop3A_195 : i32 to index
        %parallel_loop3A_199 = tpu.vector_load %arg7[%parallel_loop3A_197, %parallel_loop3A_198] {strides = array<i32>} : memref<2x4096xf32, #tpu.memory_space<vmem>>, vector<16xf32>,
        tpu.vector_store %arg7[%parallel_loop3A_197, %parallel_loop3A_198], %parallel_loop3A_193 {strides = array<i32>} : memref<2x4096xf32, #tpu.memory_space<vmem>>, vector<16xf32>,
      } {sc.loop_unroll_factor = 16 : i64, sc.parallel_access}
      %dma_start3A_142 = arith.constant 0 : i32
      %dma_start3A_143 = arith.constant 0 : i32
      %dma_start3A_144 = arith.constant 0 : i32
      %dma_start3A_145 = tpu.memref_slice %arg7[%dma_start3A_142, %dma_start3A_144] : memref<2x4096xf32, #tpu.memory_space<vmem>> -> memref<1x4096xf32, #tpu.memory_space<vmem>>
      %dma_start3A_146 = tpu.memref_squeeze %dma_start3A_145 : memref<1x4096xf32, #tpu.memory_space<vmem>> -> memref<4096xf32, #tpu.memory_space<vmem>>
      %dma_start3A_147 = arith.constant 8192 : i32
      %dma_start3A_148 = tpu.memref_slice %arg4[%add3A_44, %dma_start3A_147] : memref<832x16384xf32, #tpu.memory_space<hbm>> -> memref<1x4096xf32, #tpu.memory_space<hbm>>
      %dma_start3A_149 = tpu.memref_squeeze %dma_start3A_148 : memref<1x4096xf32, #tpu.memory_space<hbm>> -> memref<4096xf32, #tpu.memory_space<hbm>>
      %dma_start3A_150 = tpu.memref_slice %arg8[%dma_start3A_143] : memref<2x!tpu.dma_semaphore, #tpu.memory_space<semaphore_mem>> -> memref<1x!tpu.dma_semaphore, #tpu.memory_space<semaphore_mem>>
      %dma_start3A_151 = tpu.memref_squeeze %dma_start3A_150 : memref<1x!tpu.dma_semaphore, #tpu.memory_space<semaphore_mem>> -> memref<!tpu.dma_semaphore, #tpu.memory_space<semaphore_mem>>
      %dma_start3A_152 = arith.constant 8192 : i32
      %dma_start3A_153 = tpu.memref_slice %arg4[%add3A_44, %dma_start3A_152] : memref<832x16384xf32, #tpu.memory_space<hbm>> -> memref<1x4096xf32, #tpu.memory_space<hbm>>
      %dma_start3A_154 = tpu.memref_squeeze %dma_start3A_153 : memref<1x4096xf32, #tpu.memory_space<hbm>> -> memref<4096xf32, #tpu.memory_space<hbm>>
      %dma_start3A_155 = arith.constant 0 : i32
      %dma_start3A_156 = tpu.memref_slice %arg7[%dma_start3A_142, %dma_start3A_155] : memref<2x4096xf32, #tpu.memory_space<vmem>> -> memref<1x4096xf32, #tpu.memory_space<vmem>>
      %dma_start3A_157 = tpu.memref_squeeze %dma_start3A_156 : memref<1x4096xf32, #tpu.memory_space<vmem>> -> memref<4096xf32, #tpu.memory_space<vmem>>
      tpu.enqueue_dma source(%dma_start3A_157 : memref<4096xf32, #tpu.memory_space<vmem>>) target(%dma_start3A_154 : memref<4096xf32, #tpu.memory_space<hbm>>) target_semaphore(%dma_start3A_151 : memref<!tpu.dma_semaphore, #tpu.memory_space<semaphore_mem>>)
      %mul3A_158 = arith.constant 4 : i32
      %mul3A_159 = arith.muli %scan3A_42, %mul3A_158 : i32
      %add3A_160 = arith.constant 3 : i32
      %add3A_161 = arith.addi %mul3A_159, %add3A_160 : i32
      %ge3A_162 = arith.constant 2 : i32
      %ge3A_163 = arith.cmpi sge, %add3A_161, %ge3A_162 : i32
      %convert_element_type3A_164 = arith.extui %ge3A_163 : i1 to i32
      %cond3A_165 = arith.constant 0 : i32
      %cond3A_166 = arith.cmpi ne, %convert_element_type3A_164, %cond3A_165 : i32
      scf.if %cond3A_166 {
        %dma_wait3A_186 = arith.constant 1 : i32
        %dma_wait3A_187 = arith.constant 1 : i32
        %dma_wait3A_188 = arith.constant 0 : i32
        %dma_wait3A_189 = tpu.memref_slice %arg7[%dma_wait3A_186, %dma_wait3A_188] : memref<2x4096xf32, #tpu.memory_space<vmem>> -> memref<1x4096xf32, #tpu.memory_space<vmem>>
        %dma_wait3A_190 = tpu.memref_squeeze %dma_wait3A_189 : memref<1x4096xf32, #tpu.memory_space<vmem>> -> memref<4096xf32, #tpu.memory_space<vmem>>
        %dma_wait3A_191 = arith.constant 0 : i32
        %dma_wait3A_192 = tpu.memref_slice %arg4[%add3A_44, %dma_wait3A_191] : memref<832x16384xf32, #tpu.memory_space<hbm>> -> memref<1x4096xf32, #tpu.memory_space<hbm>>
        %dma_wait3A_193 = tpu.memref_squeeze %dma_wait3A_192 : memref<1x4096xf32, #tpu.memory_space<hbm>> -> memref<4096xf32, #tpu.memory_space<hbm>>
        %dma_wait3A_194 = tpu.memref_slice %arg8[%dma_wait3A_187] : memref<2x!tpu.dma_semaphore, #tpu.memory_space<semaphore_mem>> -> memref<1x!tpu.dma_semaphore, #tpu.memory_space<semaphore_mem>>
        %dma_wait3A_195 = tpu.memref_squeeze %dma_wait3A_194 : memref<1x!tpu.dma_semaphore, #tpu.memory_space<semaphore_mem>> -> memref<!tpu.dma_semaphore, #tpu.memory_space<semaphore_mem>>
        %dma_wait3A_196 = arith.constant 0 : i32
        %dma_wait3A_197 = tpu.memref_slice %arg4[%add3A_44, %dma_wait3A_196] : memref<832x16384xf32, #tpu.memory_space<hbm>> -> memref<1x4096xf32, #tpu.memory_space<hbm>>
        %dma_wait3A_198 = tpu.memref_squeeze %dma_wait3A_197 : memref<1x4096xf32, #tpu.memory_space<hbm>> -> memref<4096xf32, #tpu.memory_space<hbm>>
        %dma_wait3A_199 = arith.constant 0 : i32
        %dma_wait3A_200 = tpu.memref_slice %arg7[%dma_wait3A_186, %dma_wait3A_199] : memref<2x4096xf32, #tpu.memory_space<vmem>> -> memref<1x4096xf32, #tpu.memory_space<vmem>>
        %dma_wait3A_201 = tpu.memref_squeeze %dma_wait3A_200 : memref<1x4096xf32, #tpu.memory_space<vmem>> -> memref<4096xf32, #tpu.memory_space<vmem>>
        tpu.wait_dma2 semaphore(%dma_wait3A_195 : memref<!tpu.dma_semaphore, #tpu.memory_space<semaphore_mem>>) src(%dma_wait3A_201 : memref<4096xf32, #tpu.memory_space<vmem>>) dst(%dma_wait3A_198 : memref<4096xf32, #tpu.memory_space<hbm>>)
      } else {
      }
      %parallel_loop3A_167 = arith.constant 0 : i32
      %parallel_loop3A_168 = arith.constant 256 : i32
      %parallel_loop3A_169 = arith.constant 1 : i32
      scf.for %parallel_loop3A_186 = %parallel_loop3A_167 to %parallel_loop3A_168 step %parallel_loop3A_169  : i32 {
        %parallel_loop3A_187 = arith.constant 16 : i32
        %parallel_loop3A_188 = arith.muli %parallel_loop3A_186, %parallel_loop3A_187 : i32
        %parallel_loop3A_189 = arith.constant 12288 : i32
        %parallel_loop3A_190 = arith.addi %parallel_loop3A_189, %parallel_loop3A_188 : i32
        %parallel_loop3A_191 = arith.index_cast %parallel_loop3A_190 : i32 to index
        %parallel_loop3A_192 = tpu.vector_load %arg6[%parallel_loop3A_191] {strides = array<i32>} : memref<16384xi32, #tpu.memory_space<vmem>>, vector<16xi32>,
        %parallel_loop3A_193 = tpu.vector_load_idx %arg5[%parallel_loop3A_192] : memref<100000xf32, #tpu.memory_space<vmem>>[vector<16xi32>], vector<16xf32>,
        %parallel_loop3A_194 = arith.constant 16 : i32
        %parallel_loop3A_195 = arith.muli %parallel_loop3A_186, %parallel_loop3A_194 : i32
        %parallel_loop3A_196 = arith.constant 1 : i32
        %parallel_loop3A_197 = arith.index_cast %parallel_loop3A_196 : i32 to index
        %parallel_loop3A_198 = arith.index_cast %parallel_loop3A_195 : i32 to index
        %parallel_loop3A_199 = tpu.vector_load %arg7[%parallel_loop3A_197, %parallel_loop3A_198] {strides = array<i32>} : memref<2x4096xf32, #tpu.memory_space<vmem>>, vector<16xf32>,
        tpu.vector_store %arg7[%parallel_loop3A_197, %parallel_loop3A_198], %parallel_loop3A_193 {strides = array<i32>} : memref<2x4096xf32, #tpu.memory_space<vmem>>, vector<16xf32>,
      } {sc.loop_unroll_factor = 16 : i64, sc.parallel_access}
      %dma_start3A_170 = arith.constant 1 : i32
      %dma_start3A_171 = arith.constant 1 : i32
      %dma_start3A_172 = arith.constant 0 : i32
      %dma_start3A_173 = tpu.memref_slice %arg7[%dma_start3A_170, %dma_start3A_172] : memref<2x4096xf32, #tpu.memory_space<vmem>> -> memref<1x4096xf32, #tpu.memory_space<vmem>>
      %dma_start3A_174 = tpu.memref_squeeze %dma_start3A_173 : memref<1x4096xf32, #tpu.memory_space<vmem>> -> memref<4096xf32, #tpu.memory_space<vmem>>
      %dma_start3A_175 = arith.constant 12288 : i32
      %dma_start3A_176 = tpu.memref_slice %arg4[%add3A_44, %dma_start3A_175] : memref<832x16384xf32, #tpu.memory_space<hbm>> -> memref<1x4096xf32, #tpu.memory_space<hbm>>
      %dma_start3A_177 = tpu.memref_squeeze %dma_start3A_176 : memref<1x4096xf32, #tpu.memory_space<hbm>> -> memref<4096xf32, #tpu.memory_space<hbm>>
      %dma_start3A_178 = tpu.memref_slice %arg8[%dma_start3A_171] : memref<2x!tpu.dma_semaphore, #tpu.memory_space<semaphore_mem>> -> memref<1x!tpu.dma_semaphore, #tpu.memory_space<semaphore_mem>>
      %dma_start3A_179 = tpu.memref_squeeze %dma_start3A_178 : memref<1x!tpu.dma_semaphore, #tpu.memory_space<semaphore_mem>> -> memref<!tpu.dma_semaphore, #tpu.memory_space<semaphore_mem>>
      %dma_start3A_180 = arith.constant 12288 : i32
      %dma_start3A_181 = tpu.memref_slice %arg4[%add3A_44, %dma_start3A_180] : memref<832x16384xf32, #tpu.memory_space<hbm>> -> memref<1x4096xf32, #tpu.memory_space<hbm>>
      %dma_start3A_182 = tpu.memref_squeeze %dma_start3A_181 : memref<1x4096xf32, #tpu.memory_space<hbm>> -> memref<4096xf32, #tpu.memory_space<hbm>>
      %dma_start3A_183 = arith.constant 0 : i32
      %dma_start3A_184 = tpu.memref_slice %arg7[%dma_start3A_170, %dma_start3A_183] : memref<2x4096xf32, #tpu.memory_space<vmem>> -> memref<1x4096xf32, #tpu.memory_space<vmem>>
      %dma_start3A_185 = tpu.memref_squeeze %dma_start3A_184 : memref<1x4096xf32, #tpu.memory_space<vmem>> -> memref<4096xf32, #tpu.memory_space<vmem>>
      tpu.enqueue_dma source(%dma_start3A_185 : memref<4096xf32, #tpu.memory_space<vmem>>) target(%dma_start3A_182 : memref<4096xf32, #tpu.memory_space<hbm>>) target_semaphore(%dma_start3A_179 : memref<!tpu.dma_semaphore, #tpu.memory_space<semaphore_mem>>)
      scf.yield %select_n3A : i32
    }
    %scan3A_8 = arith.constant 26 : i32
    %dma_wait3A = arith.constant 0 : i32
    %dma_wait3A_9 = arith.constant 0 : i32
    %dma_wait3A_10 = arith.constant 0 : i32
    %dma_wait3A_11 = arith.constant 0 : i32
    %dma_wait3A_12 = tpu.memref_slice %arg7[%dma_wait3A, %dma_wait3A_11] : memref<2x4096xf32, #tpu.memory_space<vmem>> -> memref<1x4096xf32, #tpu.memory_space<vmem>>
    %dma_wait3A_13 = tpu.memref_squeeze %dma_wait3A_12 : memref<1x4096xf32, #tpu.memory_space<vmem>> -> memref<4096xf32, #tpu.memory_space<vmem>>
    %dma_wait3A_14 = arith.constant 0 : i32
    %dma_wait3A_15 = tpu.memref_slice %arg4[%dma_wait3A_9, %dma_wait3A_14] : memref<832x16384xf32, #tpu.memory_space<hbm>> -> memref<1x4096xf32, #tpu.memory_space<hbm>>
    %dma_wait3A_16 = tpu.memref_squeeze %dma_wait3A_15 : memref<1x4096xf32, #tpu.memory_space<hbm>> -> memref<4096xf32, #tpu.memory_space<hbm>>
    %dma_wait3A_17 = tpu.memref_slice %arg8[%dma_wait3A_10] : memref<2x!tpu.dma_semaphore, #tpu.memory_space<semaphore_mem>> -> memref<1x!tpu.dma_semaphore, #tpu.memory_space<semaphore_mem>>
    %dma_wait3A_18 = tpu.memref_squeeze %dma_wait3A_17 : memref<1x!tpu.dma_semaphore, #tpu.memory_space<semaphore_mem>> -> memref<!tpu.dma_semaphore, #tpu.memory_space<semaphore_mem>>
    %dma_wait3A_19 = arith.constant 0 : i32
    %dma_wait3A_20 = tpu.memref_slice %arg4[%dma_wait3A_9, %dma_wait3A_19] : memref<832x16384xf32, #tpu.memory_space<hbm>> -> memref<1x4096xf32, #tpu.memory_space<hbm>>
    %dma_wait3A_21 = tpu.memref_squeeze %dma_wait3A_20 : memref<1x4096xf32, #tpu.memory_space<hbm>> -> memref<4096xf32, #tpu.memory_space<hbm>>
    %dma_wait3A_22 = arith.constant 0 : i32
    %dma_wait3A_23 = tpu.memref_slice %arg7[%dma_wait3A, %dma_wait3A_22] : memref<2x4096xf32, #tpu.memory_space<vmem>> -> memref<1x4096xf32, #tpu.memory_space<vmem>>
    %dma_wait3A_24 = tpu.memref_squeeze %dma_wait3A_23 : memref<1x4096xf32, #tpu.memory_space<vmem>> -> memref<4096xf32, #tpu.memory_space<vmem>>
    tpu.wait_dma2 semaphore(%dma_wait3A_18 : memref<!tpu.dma_semaphore, #tpu.memory_space<semaphore_mem>>) src(%dma_wait3A_24 : memref<4096xf32, #tpu.memory_space<vmem>>) dst(%dma_wait3A_21 : memref<4096xf32, #tpu.memory_space<hbm>>)
    %dma_wait3A_25 = arith.constant 1 : i32
    %dma_wait3A_26 = arith.constant 0 : i32
    %dma_wait3A_27 = arith.constant 1 : i32
    %dma_wait3A_28 = arith.constant 0 : i32
    %dma_wait3A_29 = tpu.memref_slice %arg7[%dma_wait3A_25, %dma_wait3A_28] : memref<2x4096xf32, #tpu.memory_space<vmem>> -> memref<1x4096xf32, #tpu.memory_space<vmem>>
    %dma_wait3A_30 = tpu.memref_squeeze %dma_wait3A_29 : memref<1x4096xf32, #tpu.memory_space<vmem>> -> memref<4096xf32, #tpu.memory_space<vmem>>
    %dma_wait3A_31 = arith.constant 0 : i32
    %dma_wait3A_32 = tpu.memref_slice %arg4[%dma_wait3A_26, %dma_wait3A_31] : memref<832x16384xf32, #tpu.memory_space<hbm>> -> memref<1x4096xf32, #tpu.memory_space<hbm>>
    %dma_wait3A_33 = tpu.memref_squeeze %dma_wait3A_32 : memref<1x4096xf32, #tpu.memory_space<hbm>> -> memref<4096xf32, #tpu.memory_space<hbm>>
    %dma_wait3A_34 = tpu.memref_slice %arg8[%dma_wait3A_27] : memref<2x!tpu.dma_semaphore, #tpu.memory_space<semaphore_mem>> -> memref<1x!tpu.dma_semaphore, #tpu.memory_space<semaphore_mem>>
    %dma_wait3A_35 = tpu.memref_squeeze %dma_wait3A_34 : memref<1x!tpu.dma_semaphore, #tpu.memory_space<semaphore_mem>> -> memref<!tpu.dma_semaphore, #tpu.memory_space<semaphore_mem>>
    %dma_wait3A_36 = arith.constant 0 : i32
    %dma_wait3A_37 = tpu.memref_slice %arg4[%dma_wait3A_26, %dma_wait3A_36] : memref<832x16384xf32, #tpu.memory_space<hbm>> -> memref<1x4096xf32, #tpu.memory_space<hbm>>
    %dma_wait3A_38 = tpu.memref_squeeze %dma_wait3A_37 : memref<1x4096xf32, #tpu.memory_space<hbm>> -> memref<4096xf32, #tpu.memory_space<hbm>>
    %dma_wait3A_39 = arith.constant 0 : i32
    %dma_wait3A_40 = tpu.memref_slice %arg7[%dma_wait3A_25, %dma_wait3A_39] : memref<2x4096xf32, #tpu.memory_space<vmem>> -> memref<1x4096xf32, #tpu.memory_space<vmem>>
    %dma_wait3A_41 = tpu.memref_squeeze %dma_wait3A_40 : memref<1x4096xf32, #tpu.memory_space<vmem>> -> memref<4096xf32, #tpu.memory_space<vmem>>
    tpu.wait_dma2 semaphore(%dma_wait3A_35 : memref<!tpu.dma_semaphore, #tpu.memory_space<semaphore_mem>>) src(%dma_wait3A_41 : memref<4096xf32, #tpu.memory_space<vmem>>) dst(%dma_wait3A_38 : memref<4096xf32, #tpu.memory_space<hbm>>)
    return
  }
}

</mosaic_0001>

<sc_bundles>
// kernel: kernel.3.cloned.1.call-start
scs
__scs_entry_jumppad:
0x0: {  	(pc) =	sbr.rel $0x88, $3  }
0x1: {  	(tag) =	ssettag $0x0;
	lr =	simm.s32 $0x1  }
0x2: {  	[smem:$0x3F9F] =	sst lr;
	_ =	strace $0xD0000000  }
0x3: {  	_ = 	snop  }
0x4: {  	_ = 	snop  }
0x5: {  	_ = 	snop  }
0x6: {  	_ = 	snop  }
0x7: {  	_ = 	snop  }
__scs_overlays_trampoline_lowered:
0x8: {  	[smem:$0x3FAE] =	sst s0  }
0x9: {  	[smem:$0x3FAF] =	sst s1  }
0xa: {  	[smem:$0x3FB0] =	sst s2  }
0xb: {  	[smem:$0x3FB1] =	sst s3  }
0xc: {  	[smem:$0x3FB2] =	sst s4  }
0xd: {  	[smem:$0x3FB3] =	sst s5  }
0xe: {  	[smem:$0x3FB4] =	sst s6  }
0xf: {  	[smem:$0x3FB5] =	sst s7  }
0x10: {  	[smem:$0x3FB6] =	sst s8  }
0x11: {  	[smem:$0x3FB7] =	sst s9;
	s0 =	simm.s32 @!p0 $0x0  }
0x12: {  	s1 =	sld [smem:$0x3F9D];
	s0 =	simm.s32 @p0 $0x1  }
0x13: {  	[smem:$0x3FB8] =	sst s0;
	s0 =	simm.s32 @!p1 $0x0  }
0x14: {  	s2 =	sld [smem:$0x3F9C];
	s0 =	simm.s32 @p1 $0x1  }
0x15: {  	[smem:$0x3FB9] =	sst s0;
	s0 =	simm.s32 @!p2 $0x0  }
0x16: {  	s3 =	sld [smem:$0x3FDB];
	s0 =	simm.s32 @p2 $0x1  }
0x17: {  	s4 =	simm.s32 $0x1BF5;
	[smem:$0x3FBB] =	sst s0  }
0x18: {  	s0 =	sld [smem:$0x3F9E];
	_ =	swait.ge [sflag:s4], $0x0  }
0x19: {  	s7 =	sld [smem:$0x3F9F]  }
0x1a: {  	s8 =	sadd.s32 $0xFFFFE003, lr  }
0x1b: {  	s9 =	sadd.s32 $0xFFFFFEF7, lr;
	s5 =	simm.s32 $0xFFFFFFFF;
	p2 =	slt.u32 s8, $0xFFFFF086  }
0x1c: {  	p1 =	slt.u32 s9, $0xF7A;
	s5 =	simm.s32 @!p2 $0x0  }
0x1d: {  	s5 =	simm.s32 @p1 $0x1;
	p0 =	seq.s32 s7, s2  }
0x1e: {  	s7 =	smul.u32 @!p0 $0xF7A, s2;
	p2 =	seq.s32 @!p0 s5, $0x0  }
0x1f: {  	s9 =	smul.u32 $0xF7A, s1;
	s8 =	simm.s32 @!p0 $0x1BF5;
	p2 =	por !p2, p0  }
0x20: {  	[sflag:s8] =	ssyncset.s32 @!p0 $0xFFFFF086;
	s6 =	sadd.s32 @!p0 s3, s7;
	s7 =	simm.s32 @!p0 $0x108  }
0x21: {  	s3 =	sadd.s32 s3, s9;
	s6 =	sadd.s32 @!p0 $0x88, s6;
	s7 =	simm.s32 @p2 $0x1082  }
0x22: {  	[simem:s7], [sflag:s8] =	dma.local @!p0 [hbm:s6], $0xF7A  }
0x23: {  	s9 =	sor.u32 $0xD0000000, s2;
	s6 =	simm.s32 $0x108;
	_ =	swait.ge @!p0 [sflag:s8], $0x0  }
0x24: {  	s3 =	sadd.s32 $0x88, s3;
	s6 =	simm.s32 @!p1 $0x1082;
	[sflag:s4] =	ssyncset.s32 $0xFFFFF086  }
0x25: {  	[simem:s6], [sflag:s4] =	dma.local [hbm:s3], $0xF7A  }
0x26: {  	[smem:$0x3F9F] =	sst s1;
	(tag) =	ssettag s2;
	_ =	strace s9  }
0x27: {  	s1 =	sld [smem:$0x3FAF]  }
0x28: {  	s2 =	sld [smem:$0x3FB0]  }
0x29: {  	s4 =	sld [smem:$0x3FB2]  }
0x2a: {  	p0 =	seq.s32 s5, $0x0;
	s5 =	sld [smem:$0x3FB3]  }
0x2b: {  	s6 =	sld [smem:$0x3FB4]  }
0x2c: {  	s7 =	sld [smem:$0x3FB5]  }
0x2d: {  	s3 =	simm.s32 $0x108;
	s8 =	sld [smem:$0x3FB6]  }
0x2e: {  	s3 =	simm.s32 @!p0 $0x1082;
	s9 =	sld [smem:$0x3FB7]  }
0x2f: {  	lr =	sadd.s32 s0, s3;
	s0 =	sld [smem:$0x3FAE]  }
0x30: {  	s3 =	sld [smem:$0x3FB1]  }
0x31: {  	[smem:$0x3FBA] =	sst s10  }
0x32: {  	s10 =	sld [smem:$0x3FB8];
	_ =	sdelay $0x3  }
0x33: {  	p0 =	seq.s32 s10, $0x1;
	s10 =	sld [smem:$0x3FBA];
	_ =	sdelay $0x3  }
0x34: {  	[smem:$0x3FBA] =	sst s10  }
0x35: {  	s10 =	sld [smem:$0x3FB9];
	_ =	sdelay $0x3  }
0x36: {  	p1 =	seq.s32 s10, $0x1;
	s10 =	sld [smem:$0x3FBA];
	_ =	sdelay $0x3  }
0x37: {  	[smem:$0x3FBA] =	sst s10  }
0x38: {  	s10 =	sld [smem:$0x3FBB]  }
0x39: {  	_ = 	snop;
	(pc) =	sbr.ind lr, $3  }
0x3a: {  	_ = 	snop  }
0x3b: {  	_ = 	snop  }
0x3c: {  	p2 =	seq.s32 s10, $0x1;
	s10 =	sld [smem:$0x3FBA]  }
0x3d: {  	_ =	shalt  }
0x3e: {  	_ =	shalt  }
0x3f: {  	_ =	shalt  }
0x40: {  	_ =	shalt  }
0x41: {  	_ =	shalt  }
0x42: {  	_ =	shalt  }
0x43: {  	_ =	shalt  }
0x44: {  	_ =	shalt  }
0x45: {  	_ =	shalt  }
0x46: {  	_ =	shalt  }
0x47: {  	_ =	shalt  }
0x48: {  	_ =	shalt  }
0x49: {  	_ =	shalt  }
0x4a: {  	_ =	shalt  }
0x4b: {  	_ =	shalt  }
0x4c: {  	_ =	shalt  }
0x4d: {  	_ =	shalt  }
0x4e: {  	_ =	shalt  }
0x4f: {  	_ =	shalt  }
0x50: {  	_ =	shalt  }
0x51: {  	_ =	shalt  }
0x52: {  	_ =	shalt  }
0x53: {  	_ =	shalt  }
0x54: {  	_ =	shalt  }
0x55: {  	_ =	shalt  }
0x56: {  	_ =	shalt  }
0x57: {  	_ =	shalt  }
0x58: {  	_ =	shalt  }
0x59: {  	_ =	shalt  }
0x5a: {  	_ =	shalt  }
0x5b: {  	_ =	shalt  }
0x5c: {  	_ =	shalt  }
0x5d: {  	_ =	shalt  }
0x5e: {  	_ =	shalt  }
0x5f: {  	_ =	shalt  }
0x60: {  	_ =	shalt  }
0x61: {  	_ =	shalt  }
0x62: {  	_ =	shalt  }
0x63: {  	_ =	shalt  }
0x64: {  	_ =	shalt  }
0x65: {  	_ =	shalt  }
0x66: {  	_ =	shalt  }
0x67: {  	_ =	shalt  }
0x68: {  	_ =	shalt  }
0x69: {  	_ =	shalt  }
0x6a: {  	_ =	shalt  }
0x6b: {  	_ =	shalt  }
0x6c: {  	_ =	shalt  }
0x6d: {  	_ =	shalt  }
0x6e: {  	_ =	shalt  }
0x6f: {  	_ =	shalt  }
0x70: {  	_ =	shalt  }
0x71: {  	_ =	shalt  }
0x72: {  	_ =	shalt  }
0x73: {  	_ =	shalt  }
0x74: {  	_ =	shalt  }
0x75: {  	_ =	shalt  }
0x76: {  	_ =	shalt  }
0x77: {  	_ =	shalt  }
0x78: {  	_ =	shalt  }
0x79: {  	_ =	shalt  }
0x7a: {  	_ =	shalt  }
0x7b: {  	_ =	shalt  }
0x7c: {  	_ =	shalt  }
0x7d: {  	_ =	shalt  }
0x7e: {  	_ =	shalt  }
0x7f: {  	_ =	shalt  }
0x80: {  	_ =	shalt  }
0x81: {  	_ =	shalt  }
0x82: {  	_ =	shalt  }
0x83: {  	_ =	shalt  }
0x84: {  	_ =	shalt  }
0x85: {  	_ =	shalt  }
0x86: {  	_ =	shalt  }
0x87: {  	_ =	shalt  }
.Lfunc_end0:
.L_simem_size_0:
called_computation_lowered:
.L_overlay_start_0:
0x88: {  	s2 =	sld [smem:$0x3FD9]  }
0x89: {  	s3 =	sld [smem:$0x3FFE];
	_ =	sdelay $0x1  }
0x8a: {  	s1 =	srdreg.scid  }
0x8b: {  	s0 =	sand.u32 $0x1, s1  }
0x8c: {  	s18 =	sshll.u32 s0, $0xA;
	s2 =	sadd.s32 s3, s2  }
0x8d: {  	s2 =	sadd.s32 s2, s18  }
0x8e: {  	[smem:$0x3FC6] =	sst s2  }
0x8f: {  	_ = 	snop  }
0x90: {  	s2 =	sld [smem:$0x3FC9]  }
0x91: {  	s19 =	sld [smem:$0x3FC8]  }
0x92: {  	s4 =	sld [smem:$0x3FD0];
	(tm) =	ssettm $0x1  }
0x93: {  	s5 =	sld [smem:$0x3FFB];
	_ =	sdelay $0x3  }
0x94: {  	_ =	strace s5  }
0x95: {  	s5 =	sld [smem:$0x3FFC];
	_ =	sdelay $0x3  }
0x96: {  	_ =	strace s5  }
0x97: {  	s5 =	sld [smem:$0x3FFD];
	_ =	sdelay $0x3  }
0x98: {  	_ =	strace s5  }
0x99: {  	_ =	strace $0x8FFFFFFF  }
0x9a: {  	s20 =	sld [smem:$0x3FDB];
	_ =	sdelay $0x1  }
0x9b: {  	s6 =	simm.s32 $_scs_section_size  }
0x9c: {  	s7 =	simm.s32 $_size__tile_overlayer_lowered;
	s8 =	simm.s32 $_tile_overlayer_lowered  }
0x9d: {  	s23 =	simm.s32 $0x1BFF;
	s22 =	sshll.u32 s8, $0x1;
	s5 =	sadd.s32 s6, s20  }
0x9e: {  	s9 =	simm.s32 $0x0;
	s21 =	sshll.u32 s7, $0x1;
	s7 =	sadd.s32 s22, s5  }
0x9f: {  	[timem:s9], [sflag:s23] =	dma.local [hbm:s7], s21  }
0xa0: {  	_ =	swait.ge [sflag:s23], s21  }
0xa1: {  	s6 =	ssub.s32 $0x0, s21;
	[sflag:s23] =	ssyncset.done $0x0  }
0xa2: {  	[sflag:s23] =	ssyncadd.s32 s6;
	_ =	sdelay $0x1  }
0xa3: {  	s24 =	simm.s32 $0x1B8B  }
0xa4: {  	_ =	swait.ge [sflag:s24], $0x1  }
0xa5: {  	[sflag:s24] =	ssyncset.done $0x0  }
0xa6: {  	s25 =	simm.s32 $0x1B8E;
	[sflag:s24] =	ssyncadd.s32 $0xFFFFFFFF  }
0xa7: {  	s26 =	simm.s32 $execute0_lowered;
	[smem:$0x3FD2] =	sst s25  }
0xa8: {  	s6 =	sshll.u32 s26, $0x1;
	_ =	strace $0x80000046;
	[dreg:$0x1] =	wrdreg $0xFFFFFFFF  }
0xa9: {  	s28 =	simm.s32 $_size_execute0_lowered;
	s5 =	sadd.s32 s5, s6;
	[dreg:$0x0] =	wrdreg $0x0  }
0xaa: {  	s6 =	sshll.u32 s28, $0x1;
	[dreg:$0x2] =	wrdreg s5  }
0xab: {  	[dreg:$0x3] =	wrdreg s6  }
0xac: {  	[dreg:$0x4] =	wrdreg $0xC0  }
0xad: {  	_ =	task [dreg:s9], $0x5FFFF  }
0xae: {  	[dreg:$0x1] =	wrdreg $0xFFFFFFFF  }
0xaf: {  	[dreg:$0x0] =	wrdreg $0x60  }
0xb0: {  	[dreg:$0x2] =	wrdreg s2  }
0xb1: {  	[dreg:$0x3] =	wrdreg s19  }
0xb2: {  	[dreg:$0x4] =	wrdreg s4  }
0xb3: {  	[dreg:$0x5] =	wrdreg $0x9  }
0xb4: {  	_ =	task.clear_ibuf [dreg:s9], $0x6FFFF;
	_ =	strace $0x90000046  }
0xb5: {  	s29 =	simm.s32 $0x9;
	_ =	strace $0x80000048  }
0xb6: {  	_ =	swait.ge [sflag:s29], $0x1  }
0xb7: {  	[sflag:s29] =	ssyncadd.s32 $0xFFFFFFFF  }
0xb8: {  	_ =	strace $0x90000048  }
0xb9: {  	_ =	sfence  }
0xba: {  	s30 =	sld [smem:$0x0];
	_ =	sdelay $0x2  }
0xbb: {  	s31 =	sshll.u32 s1, $0xD;
	s1 =	sshrl.u32 s1, $0x2  }
0xbc: {  	s3 =	sand.u32 $0x4000, s31;
	s1 =	sadd.s32 s1, s30  }
0xbd: {  	s0 =	sor.u32 s3, s0;
	s1 =	sshll.u32 s1, $0x11  }
0xbe: {  	s0 =	sor.u32 s1, s0  }
0xbf: {  	s0 =	sadd.s32 $0x8F2B, s0  }
0xc0: {  	[sflag:s0] =	ssyncadd.remote.s32 $0x1  }
0xc1: {  	_ =	sfence.sel $0xFFFF  }
0xc2: {  	[dreg:$0x0] =	wrdreg $0xFFFFFFFF;
	(pc) =	sbr.abs _section_cstart, $3  }
0xc3: {  	[dreg:$0x1] =	wrdreg $0xFFFFFFFF  }
0xc4: {  	_ =	task.clear_ibuf [dreg:s9], $0x2FFFF;
	_ =	strace $0x9FFFFFFF  }
0xc5: {  	(tm) =	ssettm $0x7FFFFFFF  }
tec
execute0_lowered:
.L_overlay_start_1:
0x0: {  	(tag) =	ssettag $0x1  }
0x1: {  	s1 =	rddreg [dreg:$0x0]  }
0x2: {  	s2 =	rddreg [dreg:$0x1]  }
0x3: {  	s4 =	rddreg [dreg:$0x2]  }
0x4: {  	s0 =	rddreg [dreg:$0x3];
	s6 =	srdreg.scid  }
0x5: {  	s5 =	simm.s32 $0x0;
	s3 =	stileid.u32;
	s11 =	simm.s32 $0x80  }
0x6: {  	s12 =	simm.s32 $0x400;
	s13 =	simm.s32 $0x3;
	s14 =	simm.s32 $0x1  }
0x7: {  	s15 =	simm.s32 $0x2;
	s16 =	simm.s32 $0x0;
	s6 =	sand.u32 $0x1, s6  }
0x8: {  	[smem:$0x7FF] =	sst s5;
	s8 =	sshll.u32 s3, $0x1;
	s7 =	ssub.s32 $0x2, s6  }
0x9: {  	_ =	strace $0x80000047;
	s6 =	sor.u32 s6, s8;
	s9 =	sshrl.u32 s7, $0x1  }
0xa: {  	s8 =	sadd.s32 $0x2000, s4;
	s6 =	smul.u32 $0x1A, s6;
	s10 =	ssub.s32 s7, s9  }
0xb: {  	s7 =	sadd.s32 $0x1000, s4;
	s9 =	sadd.s32 $0x3000, s4;
	s10 =	smax.u32 s10, $0x1  }
.LBB2_1:
0xc: {  	s18 =	simm.s32 $0xFFFFFFFF;
	s17 =	simm.s32 $0x0  }
.LBB2_2:
0xd: {  	s19 =	sadd.s32 s6, s17  }
0xe: {  	s20 =	smov.u32 s18;
	s18 =	sshrl.u32 s19, $0x5  }
0xf: {  	p0 =	seq.s32 s18, s20  }
0x10: {  	s20 =	sshll.u32 @!p0 s18, $0x4  }
0x11: {  	s28 =	sshrl.u32 s19, $0x3;
	s21 =	sshll.u32 @!p0 s18, $0xB;
	s20 =	sand.u32 @!p0 $0x70, s20  }
0x12: {  	s22 =	simm.s32 @!p0 $0x400;
	s21 =	sand.u32 @!p0 $0xFFFC000, s21;
	s20 =	sadd.s32 @!p0 s1, s20  }
0x13: {  	s23 =	simm.s32 @!p0 $0x18700;
	s20 =	sadd.s32 @!p0 s21, s20;
	s21 =	simm.s32 @!p0 $0x80  }
0x14: {  	[tilespmem:s23], [sflag:$0x3] =	stream.strided.gather @!p0 [hbm4b:s20+s21], $0x4000, s22, s21, $0x38;
	[tilespmem:$0x1E700] =	vst v63  }
0x15: {  	s29 =	smul.u32 $0x30E000, s18;
	s20 =	sand.u32 $0x3, s28  }
0x16: {  	s20 =	smul.u32 $0xC3800, s20  }
0x17: {  	s30 =	sshll.u32 s19, $0x7  }
0x18: {  	s23 =	simm.s32 @!p0 $0x3;
	s21 =	sadd.s32 s29, s20;
	s20 =	sand.u32 $0x380, s30  }
0x19: {  	_ =	swait.ge @!p0 [sflag:s23], $0x4000;
	s21 =	sor.u32 s20, s21  }
0x1a: {  	[sflag:s23] =	ssyncset.done @!p0 $0x0;
	s21 =	sshrl.u32 s21, $0x3  }
0x1b: {  	[sflag:s23] =	ssyncadd.s32 @!p0 $0xFFFFC000;
	s21 =	sadd.s32 s2, s21  }
0x1c: {  	[tilespmem:s5], [sflag:$0x3] =	stream.strided.gather [hbm4b:s21+s11], $0x18700, s12, s11, $0x38;
	[tilespmem:$0x1E700] =	vst v63  }
0x1d: {  	_ =	swait.ge [sflag:s13], $0x18700  }
0x1e: {  	p0 =	seq.s32 s17, $0x0;
	[sflag:s13] =	ssyncset.done $0x0  }
0x1f: {  	s21 =	simm.s32 @!p0 $0x1;
	[sflag:s13] =	ssyncadd.s32 $0xFFFE7900  }
0x20: {  	_ =	swait.ge @!p0 [sflag:s21], $0x1000  }
0x21: {  	[sflag:s21] =	ssyncset.done @!p0 $0x0  }
0x22: {  	s31 =	simm.s32 $0x18780;
	[sflag:s21] =	ssyncadd.s32 @!p0 $0xFFFFF000  }
0x23: {  	v0 =	vld [tilespmem:s31+$0x70]  }
0x24: {  	v1 =	vld [tilespmem:s31+$0xFFFFFF90]  }
0x25: {  	v2 =	vld [tilespmem:s31+$0xFFFFFFA0]  }
0x26: {  	v3 =	vld [tilespmem:s31+$0xFFFFFFB0]  }
0x27: {  	v4 =	vld [tilespmem:s31+$0xFFFFFFC0]  }
0x28: {  	v5 =	vld [tilespmem:s31+$0xFFFFFFD0]  }
0x29: {  	v6 =	vld [tilespmem:s31+$0xFFFFFFE0]  }
0x2a: {  	v7 =	vld [tilespmem:s31+$0xFFFFFFF0]  }
0x2b: {  	v8 =	vld [tilespmem:s31+$0x0]  }
0x2c: {  	v9 =	vld [tilespmem:s31+$0x10]  }
0x2d: {  	v10 =	vld [tilespmem:s31+$0x20]  }
0x2e: {  	v11 =	vld [tilespmem:s31+$0x30]  }
0x2f: {  	v12 =	vld [tilespmem:s31+$0x40]  }
0x30: {  	v13 =	vld [tilespmem:s31+$0x50]  }
0x31: {  	v14 =	vld [tilespmem:s31+$0x60]  }
0x32: {  	v15 =	vld [tilespmem:s31+$0xFFFFFF80]  }
0x33: {  	v0 =	vld.idx.msk [tilespmem:v0+s5+$0x0], $0xffff  }
0x34: {  	v1 =	vld.idx.msk [tilespmem:v1+s5+$0x0], $0xffff  }
0x35: {  	v2 =	vld.idx.msk [tilespmem:v2+s5+$0x0], $0xffff  }
0x36: {  	v3 =	vld.idx.msk [tilespmem:v3+s5+$0x0], $0xffff  }
0x37: {  	v4 =	vld.idx.msk [tilespmem:v4+s5+$0x0], $0xffff  }
0x38: {  	s21 =	simm.s32 $0x1C800;
	v16 =	vld.idx.msk [tilespmem:v5+s5+$0x0], $0xffff  }
0x39: {  	v6 =	vld.idx.msk [tilespmem:v6+s5+$0x0], $0xffff;
	[tilespmem:s21+$0x70] =	vst v0  }
0x3a: {  	v7 =	vld.idx.msk [tilespmem:v7+s5+$0x0], $0xffff;
	[tilespmem:s21+$0xFFFFFF10] =	vst v1  }
0x3b: {  	v15 =	vld.idx.msk [tilespmem:v15+s5+$0x0], $0xffff;
	[tilespmem:s21+$0xFFFFFF20] =	vst v2  }
0x3c: {  	v8 =	vld.idx.msk [tilespmem:v8+s5+$0x0], $0xffff;
	[tilespmem:s21+$0xFFFFFF30] =	vst v3  }
0x3d: {  	v5 =	vld.idx.msk [tilespmem:v9+s5+$0x0], $0xffff;
	[tilespmem:s21+$0xFFFFFF40] =	vst v4  }
0x3e: {  	[tilespmem:s21+$0xFFFFFF50] =	vst v16;
	v0 =	vld.idx.msk [tilespmem:v10+s5+$0x0], $0xffff  }
0x3f: {  	[tilespmem:s21+$0xFFFFFF60] =	vst v6;
	v1 =	vld.idx.msk [tilespmem:v11+s5+$0x0], $0xffff  }
0x40: {  	[tilespmem:s21+$0xFFFFFF70] =	vst v7;
	v2 =	vld.idx.msk [tilespmem:v12+s5+$0x0], $0xffff  }
0x41: {  	[tilespmem:s21+$0xFFFFFF00] =	vst v15;
	v3 =	vld.idx.msk [tilespmem:v13+s5+$0x0], $0xffff  }
0x42: {  	s22 =	simm.s32 $0x0;
	s23 =	simm.s32 $0x18880;
	[tilespmem:s21+$0x0] =	vst v8;
	v4 =	vld.idx.msk [tilespmem:v14+s5+$0x0], $0xffff  }
.LBB2_3:
0x43: {  	v6 =	vld [tilespmem:s23+$0x70];
	s22 =	sadd.s32 $0x10, s22;
	[tilespmem:s21+$0x10] =	vst v5  }
0x44: {  	v5 =	vld [tilespmem:s23+$0xFFFFFF90];
	p1 =	slt.u32 s22, $0xF0;
	[tilespmem:s21+$0x20] =	vst v0  }
0x45: {  	v0 =	vld [tilespmem:s23+$0xFFFFFFA0];
	[tilespmem:s21+$0x30] =	vst v1  }
0x46: {  	v1 =	vld [tilespmem:s23+$0xFFFFFFB0];
	[tilespmem:s21+$0x40] =	vst v2  }
0x47: {  	v2 =	vld [tilespmem:s23+$0xFFFFFFC0];
	[tilespmem:s21+$0x50] =	vst v3  }
0x48: {  	v3 =	vld [tilespmem:s23+$0xFFFFFFD0];
	[tilespmem:s21+$0x60] =	vst v4  }
0x49: {  	v4 =	vld [tilespmem:s23+$0xFFFFFFE0]  }
0x4a: {  	v7 =	vld [tilespmem:s23+$0xFFFFFFF0]  }
0x4b: {  	v6 =	vld.idx.msk [tilespmem:v6+s5+$0x0], $0xffff  }
0x4c: {  	v8 =	vld [tilespmem:s23+$0x0]  }
0x4d: {  	v9 =	vld [tilespmem:s23+$0x10]  }
0x4e: {  	v10 =	vld [tilespmem:s23+$0x20]  }
0x4f: {  	v11 =	vld [tilespmem:s23+$0x30]  }
0x50: {  	s21 =	sadd.s32 $0x200, s21;
	v12 =	vld [tilespmem:s23+$0x40]  }
0x51: {  	v13 =	vld [tilespmem:s23+$0x50];
	[tilespmem:s21+$0x70] =	vst v6  }
0x52: {  	v6 =	vld [tilespmem:s23+$0x60]  }
0x53: {  	v14 =	vld [tilespmem:s23+$0xFFFFFF80]  }
0x54: {  	v5 =	vld.idx.msk [tilespmem:v5+s5+$0x0], $0xffff  }
0x55: {  	v0 =	vld.idx.msk [tilespmem:v0+s5+$0x0], $0xffff  }
0x56: {  	v1 =	vld.idx.msk [tilespmem:v1+s5+$0x0], $0xffff  }
0x57: {  	v2 =	vld.idx.msk [tilespmem:v2+s5+$0x0], $0xffff  }
0x58: {  	v3 =	vld.idx.msk [tilespmem:v3+s5+$0x0], $0xffff  }
0x59: {  	v4 =	vld.idx.msk [tilespmem:v4+s5+$0x0], $0xffff  }
0x5a: {  	[tilespmem:s21+$0xFFFFFF10] =	vst v5;
	v7 =	vld.idx.msk [tilespmem:v7+s5+$0x0], $0xffff  }
0x5b: {  	v14 =	vld.idx.msk [tilespmem:v14+s5+$0x0], $0xffff;
	[tilespmem:s21+$0xFFFFFF20] =	vst v0  }
0x5c: {  	[tilespmem:s21+$0xFFFFFF30] =	vst v1;
	v8 =	vld.idx.msk [tilespmem:v8+s5+$0x0], $0xffff  }
0x5d: {  	[tilespmem:s21+$0xFFFFFF40] =	vst v2;
	v5 =	vld.idx.msk [tilespmem:v9+s5+$0x0], $0xffff  }
.Ltmp0:
0x5e: {  	[tilespmem:s21+$0xFFFFFF50] =	vst v3;
	v0 =	vld.idx.msk [tilespmem:v10+s5+$0x0], $0xffff;
	(pc) =	sbr.rel @p1 .LBB2_3-.Ltmp0, $4  }
0x5f: {  	[tilespmem:s21+$0xFFFFFF60] =	vst v4;
	v1 =	vld.idx.msk [tilespmem:v11+s5+$0x0], $0xffff  }
0x60: {  	[tilespmem:s21+$0xFFFFFF70] =	vst v7;
	v2 =	vld.idx.msk [tilespmem:v12+s5+$0x0], $0xffff  }
0x61: {  	[tilespmem:s21+$0xFFFFFF00] =	vst v14;
	v3 =	vld.idx.msk [tilespmem:v13+s5+$0x0], $0xffff  }
0x62: {  	s23 =	sadd.s32 $0x100, s23;
	[tilespmem:s21+$0x0] =	vst v8;
	v4 =	vld.idx.msk [tilespmem:v6+s5+$0x0], $0xffff  }
0x63: {  	[tilespmem:s21+$0x10] =	vst v5;
	s19 =	sshll.u32 s19, $0xE  }
0x64: {  	[tilespmem:s21+$0x20] =	vst v0;
	s19 =	sand.u32 $0x7FFE0000, s19  }
0x65: {  	[tilespmem:s21+$0x30] =	vst v1;
	s19 =	sor.u32 s20, s19  }
0x66: {  	[tilespmem:s21+$0x40] =	vst v2;
	s19 =	sshrl.u32 s19, $0x3  }
0x67: {  	s22 =	simm.s32 $0x1C700;
	[tilespmem:s21+$0x50] =	vst v3;
	s20 =	sadd.s32 s4, s19  }
0x68: {  	s23 =	simm.s32 $0x1C800;
	[tilespmem:s21+$0x60] =	vst v4;
	s21 =	simm.s32 $0x80;
	s24 =	sadd.s32 $0x0, s20  }
.LBB2_5:
0x69: {  	[hbm4b:s24+s5] =	stream.linear.scatter [tilespmem:s22], [sflag:$0x1], $0x80, $0x38;
	[tilespmem:$0x1E700] =	vst v63  }
0x6a: {  	s24 =	smov.u32 s21;
	s22 =	smov.u32 s23;
	p1 =	sne.s32 s21, $0xF80  }
.Ltmp1:
0x6b: {  	s21 =	sadd.s32 $0x80, s21;
	(pc) =	sbr.rel @p1 .LBB2_5-.Ltmp1, $2  }
0x6c: {  	_ =	sdelay $0x2  }
0x6d: {  	s23 =	sadd.s32 $0x100, s23;
	s24 =	sadd.s32 s24, s20  }
0x6e: {  	[hbm4b:s24+s5] =	stream.linear.scatter [tilespmem:s22], [sflag:$0x1], $0x80, $0x38;
	[tilespmem:$0x1E700] =	vst v63  }
0x6f: {  	s20 =	simm.s32 @!p0 $0x2  }
0x70: {  	_ =	swait.ge @!p0 [sflag:s20], $0x1000  }
0x71: {  	[sflag:s20] =	ssyncset.done @!p0 $0x0  }
0x72: {  	s31 =	simm.s32 $0x197F0;
	[sflag:s20] =	ssyncadd.s32 @!p0 $0xFFFFF000  }
0x73: {  	v0 =	vld [tilespmem:s31+$0x0]  }
0x74: {  	v1 =	vld [tilespmem:s31+$0xFFFFFF20]  }
0x75: {  	v2 =	vld [tilespmem:s31+$0xFFFFFF30]  }
0x76: {  	v3 =	vld [tilespmem:s31+$0xFFFFFF40]  }
0x77: {  	v4 =	vld [tilespmem:s31+$0xFFFFFF50]  }
0x78: {  	v5 =	vld [tilespmem:s31+$0xFFFFFF60]  }
0x79: {  	v6 =	vld [tilespmem:s31+$0xFFFFFF70]  }
0x7a: {  	v7 =	vld [tilespmem:s31+$0xFFFFFF80]  }
0x7b: {  	v8 =	vld [tilespmem:s31+$0xFFFFFF90]  }
0x7c: {  	v9 =	vld [tilespmem:s31+$0xFFFFFFA0]  }
0x7d: {  	v10 =	vld [tilespmem:s31+$0xFFFFFFB0]  }
0x7e: {  	v11 =	vld [tilespmem:s31+$0xFFFFFFC0]  }
0x7f: {  	v12 =	vld [tilespmem:s31+$0xFFFFFFD0]  }
0x80: {  	v13 =	vld [tilespmem:s31+$0xFFFFFFE0]  }
0x81: {  	v14 =	vld [tilespmem:s31+$0xFFFFFFF0]  }
0x82: {  	v15 =	vld [tilespmem:s31+$0xFFFFFF10]  }
0x83: {  	v0 =	vld.idx.msk [tilespmem:v0+s5+$0x0], $0xffff  }
0x84: {  	v1 =	vld.idx.msk [tilespmem:v1+s5+$0x0], $0xffff  }
0x85: {  	v2 =	vld.idx.msk [tilespmem:v2+s5+$0x0], $0xffff  }
0x86: {  	v3 =	vld.idx.msk [tilespmem:v3+s5+$0x0], $0xffff  }
0x87: {  	v4 =	vld.idx.msk [tilespmem:v4+s5+$0x0], $0xffff  }
0x88: {  	s20 =	simm.s32 $0x1C880;
	v5 =	vld.idx.msk [tilespmem:v5+s5+$0x0], $0xffff  }
0x89: {  	v6 =	vld.idx.msk [tilespmem:v6+s5+$0x0], $0xffff;
	[tilespmem:s20+$0x70] =	vst v0  }
0x8a: {  	v7 =	vld.idx.msk [tilespmem:v7+s5+$0x0], $0xffff;
	[tilespmem:s20+$0xFFFFFF10] =	vst v1  }
0x8b: {  	v15 =	vld.idx.msk [tilespmem:v15+s5+$0x0], $0xffff;
	[tilespmem:s20+$0xFFFFFF20] =	vst v2  }
0x8c: {  	v8 =	vld.idx.msk [tilespmem:v8+s5+$0x0], $0xffff;
	[tilespmem:s20+$0xFFFFFF30] =	vst v3  }
0x8d: {  	[tilespmem:s20+$0xFFFFFF40] =	vst v4;
	v0 =	vld.idx.msk [tilespmem:v9+s5+$0x0], $0xffff  }
0x8e: {  	[tilespmem:s20+$0xFFFFFF50] =	vst v5;
	v1 =	vld.idx.msk [tilespmem:v10+s5+$0x0], $0xffff  }
0x8f: {  	[tilespmem:s20+$0xFFFFFF60] =	vst v6;
	v2 =	vld.idx.msk [tilespmem:v11+s5+$0x0], $0xffff  }
0x90: {  	[tilespmem:s20+$0xFFFFFF70] =	vst v7;
	v3 =	vld.idx.msk [tilespmem:v12+s5+$0x0], $0xffff  }
0x91: {  	[tilespmem:s20+$0xFFFFFF00] =	vst v15;
	v4 =	vld.idx.msk [tilespmem:v13+s5+$0x0], $0xffff  }
0x92: {  	s21 =	simm.s32 $0x0;
	s22 =	simm.s32 $0x198F0;
	[tilespmem:s20+$0x0] =	vst v8;
	v5 =	vld.idx.msk [tilespmem:v14+s5+$0x0], $0xffff  }
.LBB2_7:
0x93: {  	v6 =	vld [tilespmem:s22+$0x0];
	s21 =	sadd.s32 $0x10, s21;
	[tilespmem:s20+$0x10] =	vst v0  }
0x94: {  	v0 =	vld [tilespmem:s22+$0xFFFFFF20];
	p0 =	slt.u32 s21, $0xF0;
	[tilespmem:s20+$0x20] =	vst v1  }
0x95: {  	v1 =	vld [tilespmem:s22+$0xFFFFFF30];
	[tilespmem:s20+$0x30] =	vst v2  }
0x96: {  	v2 =	vld [tilespmem:s22+$0xFFFFFF40];
	[tilespmem:s20+$0x40] =	vst v3  }
0x97: {  	v3 =	vld [tilespmem:s22+$0xFFFFFF50];
	[tilespmem:s20+$0x50] =	vst v4  }
0x98: {  	v4 =	vld [tilespmem:s22+$0xFFFFFF60];
	[tilespmem:s20+$0x60] =	vst v5  }
0x99: {  	v5 =	vld [tilespmem:s22+$0xFFFFFF70]  }
0x9a: {  	v7 =	vld [tilespmem:s22+$0xFFFFFF80]  }
0x9b: {  	v6 =	vld.idx.msk [tilespmem:v6+s5+$0x0], $0xffff  }
0x9c: {  	v8 =	vld [tilespmem:s22+$0xFFFFFF90]  }
0x9d: {  	v9 =	vld [tilespmem:s22+$0xFFFFFFA0]  }
0x9e: {  	v10 =	vld [tilespmem:s22+$0xFFFFFFB0]  }
0x9f: {  	v11 =	vld [tilespmem:s22+$0xFFFFFFC0]  }
0xa0: {  	s20 =	sadd.s32 $0x200, s20;
	v12 =	vld [tilespmem:s22+$0xFFFFFFD0]  }
0xa1: {  	v13 =	vld [tilespmem:s22+$0xFFFFFFE0];
	[tilespmem:s20+$0x70] =	vst v6  }
0xa2: {  	v6 =	vld [tilespmem:s22+$0xFFFFFFF0]  }
0xa3: {  	v14 =	vld [tilespmem:s22+$0xFFFFFF10]  }
0xa4: {  	v0 =	vld.idx.msk [tilespmem:v0+s5+$0x0], $0xffff  }
0xa5: {  	v1 =	vld.idx.msk [tilespmem:v1+s5+$0x0], $0xffff  }
0xa6: {  	v2 =	vld.idx.msk [tilespmem:v2+s5+$0x0], $0xffff  }
0xa7: {  	v3 =	vld.idx.msk [tilespmem:v3+s5+$0x0], $0xffff  }
0xa8: {  	v4 =	vld.idx.msk [tilespmem:v4+s5+$0x0], $0xffff  }
0xa9: {  	v5 =	vld.idx.msk [tilespmem:v5+s5+$0x0], $0xffff  }
0xaa: {  	[tilespmem:s20+$0xFFFFFF10] =	vst v0;
	v7 =	vld.idx.msk [tilespmem:v7+s5+$0x0], $0xffff  }
0xab: {  	v14 =	vld.idx.msk [tilespmem:v14+s5+$0x0], $0xffff;
	[tilespmem:s20+$0xFFFFFF20] =	vst v1  }
0xac: {  	[tilespmem:s20+$0xFFFFFF30] =	vst v2;
	v8 =	vld.idx.msk [tilespmem:v8+s5+$0x0], $0xffff  }
0xad: {  	[tilespmem:s20+$0xFFFFFF40] =	vst v3;
	v0 =	vld.idx.msk [tilespmem:v9+s5+$0x0], $0xffff  }
.Ltmp2:
0xae: {  	[tilespmem:s20+$0xFFFFFF50] =	vst v4;
	v1 =	vld.idx.msk [tilespmem:v10+s5+$0x0], $0xffff;
	(pc) =	sbr.rel @p0 .LBB2_7-.Ltmp2, $4  }
0xaf: {  	[tilespmem:s20+$0xFFFFFF60] =	vst v5;
	v2 =	vld.idx.msk [tilespmem:v11+s5+$0x0], $0xffff  }
0xb0: {  	[tilespmem:s20+$0xFFFFFF70] =	vst v7;
	v3 =	vld.idx.msk [tilespmem:v12+s5+$0x0], $0xffff  }
0xb1: {  	[tilespmem:s20+$0xFFFFFF00] =	vst v14;
	v4 =	vld.idx.msk [tilespmem:v13+s5+$0x0], $0xffff  }
0xb2: {  	s22 =	sadd.s32 $0x100, s22;
	[tilespmem:s20+$0x0] =	vst v8;
	v5 =	vld.idx.msk [tilespmem:v6+s5+$0x0], $0xffff  }
0xb3: {  	[tilespmem:s20+$0x10] =	vst v0  }
0xb4: {  	[tilespmem:s20+$0x20] =	vst v1  }
0xb5: {  	[tilespmem:s20+$0x30] =	vst v2  }
0xb6: {  	[tilespmem:s20+$0x40] =	vst v3  }
0xb7: {  	s21 =	sadd.s32 s19, s7;
	s22 =	simm.s32 $0x1C780;
	[tilespmem:s20+$0x50] =	vst v4  }
0xb8: {  	s23 =	simm.s32 $0x1C880;
	s24 =	sadd.s32 $0x0, s21;
	[tilespmem:s20+$0x60] =	vst v5;
	s20 =	simm.s32 $0x80  }
.LBB2_9:
0xb9: {  	[hbm4b:s24+s5] =	stream.linear.scatter [tilespmem:s22], [sflag:$0x2], $0x80, $0x38;
	[tilespmem:$0x1E700] =	vst v63  }
0xba: {  	s24 =	smov.u32 s20;
	s22 =	smov.u32 s23;
	p0 =	sne.s32 s20, $0xF80  }
.Ltmp3:
0xbb: {  	s20 =	sadd.s32 $0x80, s20;
	(pc) =	sbr.rel @p0 .LBB2_9-.Ltmp3, $2  }
0xbc: {  	_ =	sdelay $0x2  }
0xbd: {  	s23 =	sadd.s32 $0x100, s23;
	s24 =	sadd.s32 s24, s21  }
0xbe: {  	[hbm4b:s24+s5] =	stream.linear.scatter [tilespmem:s22], [sflag:$0x2], $0x80, $0x38;
	[tilespmem:$0x1E700] =	vst v63  }
0xbf: {  	_ =	swait.ge [sflag:s14], $0x1000  }
0xc0: {  	[sflag:s14] =	ssyncset.done $0x0  }
0xc1: {  	s20 =	simm.s32 $0x1A7F0;
	[sflag:s14] =	ssyncadd.s32 $0xFFFFF000  }
0xc2: {  	v0 =	vld [tilespmem:s20+$0x0]  }
0xc3: {  	v1 =	vld [tilespmem:s20+$0xFFFFFF20]  }
0xc4: {  	v2 =	vld [tilespmem:s20+$0xFFFFFF30]  }
0xc5: {  	v3 =	vld [tilespmem:s20+$0xFFFFFF40]  }
0xc6: {  	v4 =	vld [tilespmem:s20+$0xFFFFFF50]  }
0xc7: {  	v5 =	vld [tilespmem:s20+$0xFFFFFF60]  }
0xc8: {  	v6 =	vld [tilespmem:s20+$0xFFFFFF70]  }
0xc9: {  	v7 =	vld [tilespmem:s20+$0xFFFFFF80]  }
0xca: {  	v8 =	vld [tilespmem:s20+$0xFFFFFF90]  }
0xcb: {  	v9 =	vld [tilespmem:s20+$0xFFFFFFA0]  }
0xcc: {  	v10 =	vld [tilespmem:s20+$0xFFFFFFB0]  }
0xcd: {  	v11 =	vld [tilespmem:s20+$0xFFFFFFC0]  }
0xce: {  	v12 =	vld [tilespmem:s20+$0xFFFFFFD0]  }
0xcf: {  	v13 =	vld [tilespmem:s20+$0xFFFFFFE0]  }
0xd0: {  	v14 =	vld [tilespmem:s20+$0xFFFFFFF0]  }
0xd1: {  	v15 =	vld [tilespmem:s20+$0xFFFFFF10]  }
0xd2: {  	v0 =	vld.idx.msk [tilespmem:v0+s5+$0x0], $0xffff  }
0xd3: {  	v1 =	vld.idx.msk [tilespmem:v1+s5+$0x0], $0xffff  }
0xd4: {  	v2 =	vld.idx.msk [tilespmem:v2+s5+$0x0], $0xffff  }
0xd5: {  	v3 =	vld.idx.msk [tilespmem:v3+s5+$0x0], $0xffff  }
0xd6: {  	v4 =	vld.idx.msk [tilespmem:v4+s5+$0x0], $0xffff  }
0xd7: {  	s20 =	simm.s32 $0x1C800;
	v5 =	vld.idx.msk [tilespmem:v5+s5+$0x0], $0xffff  }
0xd8: {  	v6 =	vld.idx.msk [tilespmem:v6+s5+$0x0], $0xffff;
	[tilespmem:s20+$0x70] =	vst v0  }
0xd9: {  	v7 =	vld.idx.msk [tilespmem:v7+s5+$0x0], $0xffff;
	[tilespmem:s20+$0xFFFFFF10] =	vst v1  }
0xda: {  	v15 =	vld.idx.msk [tilespmem:v15+s5+$0x0], $0xffff;
	[tilespmem:s20+$0xFFFFFF20] =	vst v2  }
0xdb: {  	v8 =	vld.idx.msk [tilespmem:v8+s5+$0x0], $0xffff;
	[tilespmem:s20+$0xFFFFFF30] =	vst v3  }
0xdc: {  	[tilespmem:s20+$0xFFFFFF40] =	vst v4;
	v0 =	vld.idx.msk [tilespmem:v9+s5+$0x0], $0xffff  }
0xdd: {  	[tilespmem:s20+$0xFFFFFF50] =	vst v5;
	v1 =	vld.idx.msk [tilespmem:v10+s5+$0x0], $0xffff  }
0xde: {  	[tilespmem:s20+$0xFFFFFF60] =	vst v6;
	v2 =	vld.idx.msk [tilespmem:v11+s5+$0x0], $0xffff  }
0xdf: {  	[tilespmem:s20+$0xFFFFFF70] =	vst v7;
	v3 =	vld.idx.msk [tilespmem:v12+s5+$0x0], $0xffff  }
0xe0: {  	[tilespmem:s20+$0xFFFFFF00] =	vst v15;
	v4 =	vld.idx.msk [tilespmem:v13+s5+$0x0], $0xffff  }
0xe1: {  	s21 =	simm.s32 $0x0;
	s22 =	simm.s32 $0x1A8F0;
	[tilespmem:s20+$0x0] =	vst v8;
	v5 =	vld.idx.msk [tilespmem:v14+s5+$0x0], $0xffff  }
.LBB2_11:
0xe2: {  	v6 =	vld [tilespmem:s22+$0x0];
	s21 =	sadd.s32 $0x10, s21;
	[tilespmem:s20+$0x10] =	vst v0  }
0xe3: {  	v0 =	vld [tilespmem:s22+$0xFFFFFF20];
	p0 =	slt.u32 s21, $0xF0;
	[tilespmem:s20+$0x20] =	vst v1  }
0xe4: {  	v1 =	vld [tilespmem:s22+$0xFFFFFF30];
	[tilespmem:s20+$0x30] =	vst v2  }
0xe5: {  	v2 =	vld [tilespmem:s22+$0xFFFFFF40];
	[tilespmem:s20+$0x40] =	vst v3  }
0xe6: {  	v3 =	vld [tilespmem:s22+$0xFFFFFF50];
	[tilespmem:s20+$0x50] =	vst v4  }
0xe7: {  	v4 =	vld [tilespmem:s22+$0xFFFFFF60];
	[tilespmem:s20+$0x60] =	vst v5  }
0xe8: {  	v5 =	vld [tilespmem:s22+$0xFFFFFF70]  }
0xe9: {  	v7 =	vld [tilespmem:s22+$0xFFFFFF80]  }
0xea: {  	v6 =	vld.idx.msk [tilespmem:v6+s5+$0x0], $0xffff  }
0xeb: {  	v8 =	vld [tilespmem:s22+$0xFFFFFF90]  }
0xec: {  	v9 =	vld [tilespmem:s22+$0xFFFFFFA0]  }
0xed: {  	v10 =	vld [tilespmem:s22+$0xFFFFFFB0]  }
0xee: {  	v11 =	vld [tilespmem:s22+$0xFFFFFFC0]  }
0xef: {  	s20 =	sadd.s32 $0x200, s20;
	v12 =	vld [tilespmem:s22+$0xFFFFFFD0]  }
0xf0: {  	v13 =	vld [tilespmem:s22+$0xFFFFFFE0];
	[tilespmem:s20+$0x70] =	vst v6  }
0xf1: {  	v6 =	vld [tilespmem:s22+$0xFFFFFFF0]  }
0xf2: {  	v14 =	vld [tilespmem:s22+$0xFFFFFF10]  }
0xf3: {  	v0 =	vld.idx.msk [tilespmem:v0+s5+$0x0], $0xffff  }
0xf4: {  	v1 =	vld.idx.msk [tilespmem:v1+s5+$0x0], $0xffff  }
0xf5: {  	v2 =	vld.idx.msk [tilespmem:v2+s5+$0x0], $0xffff  }
0xf6: {  	v3 =	vld.idx.msk [tilespmem:v3+s5+$0x0], $0xffff  }
0xf7: {  	v4 =	vld.idx.msk [tilespmem:v4+s5+$0x0], $0xffff  }
0xf8: {  	v5 =	vld.idx.msk [tilespmem:v5+s5+$0x0], $0xffff  }
0xf9: {  	[tilespmem:s20+$0xFFFFFF10] =	vst v0;
	v7 =	vld.idx.msk [tilespmem:v7+s5+$0x0], $0xffff  }
0xfa: {  	v14 =	vld.idx.msk [tilespmem:v14+s5+$0x0], $0xffff;
	[tilespmem:s20+$0xFFFFFF20] =	vst v1  }
0xfb: {  	[tilespmem:s20+$0xFFFFFF30] =	vst v2;
	v8 =	vld.idx.msk [tilespmem:v8+s5+$0x0], $0xffff  }
0xfc: {  	[tilespmem:s20+$0xFFFFFF40] =	vst v3;
	v0 =	vld.idx.msk [tilespmem:v9+s5+$0x0], $0xffff  }
.Ltmp4:
0xfd: {  	[tilespmem:s20+$0xFFFFFF50] =	vst v4;
	v1 =	vld.idx.msk [tilespmem:v10+s5+$0x0], $0xffff;
	(pc) =	sbr.rel @p0 .LBB2_11-.Ltmp4, $4  }
0xfe: {  	[tilespmem:s20+$0xFFFFFF60] =	vst v5;
	v2 =	vld.idx.msk [tilespmem:v11+s5+$0x0], $0xffff  }
0xff: {  	[tilespmem:s20+$0xFFFFFF70] =	vst v7;
	v3 =	vld.idx.msk [tilespmem:v12+s5+$0x0], $0xffff  }
0x100: {  	[tilespmem:s20+$0xFFFFFF00] =	vst v14;
	v4 =	vld.idx.msk [tilespmem:v13+s5+$0x0], $0xffff  }
0x101: {  	s22 =	sadd.s32 $0x100, s22;
	[tilespmem:s20+$0x0] =	vst v8;
	v5 =	vld.idx.msk [tilespmem:v6+s5+$0x0], $0xffff  }
0x102: {  	[tilespmem:s20+$0x10] =	vst v0  }
0x103: {  	[tilespmem:s20+$0x20] =	vst v1  }
0x104: {  	[tilespmem:s20+$0x30] =	vst v2  }
0x105: {  	[tilespmem:s20+$0x40] =	vst v3  }
0x106: {  	s21 =	sadd.s32 s19, s8;
	s22 =	simm.s32 $0x1C700;
	[tilespmem:s20+$0x50] =	vst v4  }
0x107: {  	s23 =	simm.s32 $0x1C800;
	s24 =	sadd.s32 $0x0, s21;
	[tilespmem:s20+$0x60] =	vst v5;
	s20 =	simm.s32 $0x80  }
.LBB2_13:
0x108: {  	[hbm4b:s24+s5] =	stream.linear.scatter [tilespmem:s22], [sflag:$0x1], $0x80, $0x38;
	[tilespmem:$0x1E700] =	vst v63  }
0x109: {  	s24 =	smov.u32 s20;
	s22 =	smov.u32 s23;
	p0 =	sne.s32 s20, $0xF80  }
.Ltmp5:
0x10a: {  	s20 =	sadd.s32 $0x80, s20;
	(pc) =	sbr.rel @p0 .LBB2_13-.Ltmp5, $2  }
0x10b: {  	_ =	sdelay $0x2  }
0x10c: {  	s23 =	sadd.s32 $0x100, s23;
	s24 =	sadd.s32 s24, s21  }
0x10d: {  	[hbm4b:s24+s5] =	stream.linear.scatter [tilespmem:s22], [sflag:$0x1], $0x80, $0x38;
	[tilespmem:$0x1E700] =	vst v63  }
0x10e: {  	_ =	swait.ge [sflag:s15], $0x1000  }
0x10f: {  	[sflag:s15] =	ssyncset.done $0x0  }
0x110: {  	s20 =	simm.s32 $0x1B7F0;
	[sflag:s15] =	ssyncadd.s32 $0xFFFFF000  }
0x111: {  	v0 =	vld [tilespmem:s20+$0x0]  }
0x112: {  	v1 =	vld [tilespmem:s20+$0xFFFFFF20]  }
0x113: {  	v2 =	vld [tilespmem:s20+$0xFFFFFF30]  }
0x114: {  	v3 =	vld [tilespmem:s20+$0xFFFFFF40]  }
0x115: {  	v4 =	vld [tilespmem:s20+$0xFFFFFF50]  }
0x116: {  	v5 =	vld [tilespmem:s20+$0xFFFFFF60]  }
0x117: {  	v6 =	vld [tilespmem:s20+$0xFFFFFF70]  }
0x118: {  	v7 =	vld [tilespmem:s20+$0xFFFFFF80]  }
0x119: {  	v8 =	vld [tilespmem:s20+$0xFFFFFF90]  }
0x11a: {  	v9 =	vld [tilespmem:s20+$0xFFFFFFA0]  }
0x11b: {  	v10 =	vld [tilespmem:s20+$0xFFFFFFB0]  }
0x11c: {  	v11 =	vld [tilespmem:s20+$0xFFFFFFC0]  }
0x11d: {  	v12 =	vld [tilespmem:s20+$0xFFFFFFD0]  }
0x11e: {  	v13 =	vld [tilespmem:s20+$0xFFFFFFE0]  }
0x11f: {  	v14 =	vld [tilespmem:s20+$0xFFFFFFF0]  }
0x120: {  	v15 =	vld [tilespmem:s20+$0xFFFFFF10]  }
0x121: {  	v0 =	vld.idx.msk [tilespmem:v0+s5+$0x0], $0xffff  }
0x122: {  	v1 =	vld.idx.msk [tilespmem:v1+s5+$0x0], $0xffff  }
0x123: {  	v2 =	vld.idx.msk [tilespmem:v2+s5+$0x0], $0xffff  }
0x124: {  	v3 =	vld.idx.msk [tilespmem:v3+s5+$0x0], $0xffff  }
0x125: {  	v4 =	vld.idx.msk [tilespmem:v4+s5+$0x0], $0xffff  }
0x126: {  	s20 =	simm.s32 $0x1C880;
	v5 =	vld.idx.msk [tilespmem:v5+s5+$0x0], $0xffff  }
0x127: {  	v6 =	vld.idx.msk [tilespmem:v6+s5+$0x0], $0xffff;
	[tilespmem:s20+$0x70] =	vst v0  }
0x128: {  	v7 =	vld.idx.msk [tilespmem:v7+s5+$0x0], $0xffff;
	[tilespmem:s20+$0xFFFFFF10] =	vst v1  }
0x129: {  	v15 =	vld.idx.msk [tilespmem:v15+s5+$0x0], $0xffff;
	[tilespmem:s20+$0xFFFFFF20] =	vst v2  }
0x12a: {  	v8 =	vld.idx.msk [tilespmem:v8+s5+$0x0], $0xffff;
	[tilespmem:s20+$0xFFFFFF30] =	vst v3  }
0x12b: {  	[tilespmem:s20+$0xFFFFFF40] =	vst v4;
	v0 =	vld.idx.msk [tilespmem:v9+s5+$0x0], $0xffff  }
0x12c: {  	[tilespmem:s20+$0xFFFFFF50] =	vst v5;
	v1 =	vld.idx.msk [tilespmem:v10+s5+$0x0], $0xffff  }
0x12d: {  	[tilespmem:s20+$0xFFFFFF60] =	vst v6;
	v2 =	vld.idx.msk [tilespmem:v11+s5+$0x0], $0xffff  }
0x12e: {  	[tilespmem:s20+$0xFFFFFF70] =	vst v7;
	v3 =	vld.idx.msk [tilespmem:v12+s5+$0x0], $0xffff  }
0x12f: {  	[tilespmem:s20+$0xFFFFFF00] =	vst v15;
	v4 =	vld.idx.msk [tilespmem:v13+s5+$0x0], $0xffff  }
0x130: {  	s21 =	simm.s32 $0x0;
	s22 =	simm.s32 $0x1B8F0;
	[tilespmem:s20+$0x0] =	vst v8;
	v5 =	vld.idx.msk [tilespmem:v14+s5+$0x0], $0xffff  }
.LBB2_15:
0x131: {  	v6 =	vld [tilespmem:s22+$0x0];
	s21 =	sadd.s32 $0x10, s21;
	[tilespmem:s20+$0x10] =	vst v0  }
0x132: {  	v0 =	vld [tilespmem:s22+$0xFFFFFF20];
	p0 =	slt.u32 s21, $0xF0;
	[tilespmem:s20+$0x20] =	vst v1  }
0x133: {  	v1 =	vld [tilespmem:s22+$0xFFFFFF30];
	[tilespmem:s20+$0x30] =	vst v2  }
0x134: {  	v2 =	vld [tilespmem:s22+$0xFFFFFF40];
	[tilespmem:s20+$0x40] =	vst v3  }
0x135: {  	v3 =	vld [tilespmem:s22+$0xFFFFFF50];
	[tilespmem:s20+$0x50] =	vst v4  }
0x136: {  	v4 =	vld [tilespmem:s22+$0xFFFFFF60];
	[tilespmem:s20+$0x60] =	vst v5  }
0x137: {  	v5 =	vld [tilespmem:s22+$0xFFFFFF70]  }
0x138: {  	v7 =	vld [tilespmem:s22+$0xFFFFFF80]  }
0x139: {  	v6 =	vld.idx.msk [tilespmem:v6+s5+$0x0], $0xffff  }
0x13a: {  	v8 =	vld [tilespmem:s22+$0xFFFFFF90]  }
0x13b: {  	v9 =	vld [tilespmem:s22+$0xFFFFFFA0]  }
0x13c: {  	v10 =	vld [tilespmem:s22+$0xFFFFFFB0]  }
0x13d: {  	v11 =	vld [tilespmem:s22+$0xFFFFFFC0]  }
0x13e: {  	s20 =	sadd.s32 $0x200, s20;
	v12 =	vld [tilespmem:s22+$0xFFFFFFD0]  }
0x13f: {  	v13 =	vld [tilespmem:s22+$0xFFFFFFE0];
	[tilespmem:s20+$0x70] =	vst v6  }
0x140: {  	v6 =	vld [tilespmem:s22+$0xFFFFFFF0]  }
0x141: {  	v14 =	vld [tilespmem:s22+$0xFFFFFF10]  }
0x142: {  	v0 =	vld.idx.msk [tilespmem:v0+s5+$0x0], $0xffff  }
0x143: {  	v1 =	vld.idx.msk [tilespmem:v1+s5+$0x0], $0xffff  }
0x144: {  	v2 =	vld.idx.msk [tilespmem:v2+s5+$0x0], $0xffff  }
0x145: {  	v3 =	vld.idx.msk [tilespmem:v3+s5+$0x0], $0xffff  }
0x146: {  	v4 =	vld.idx.msk [tilespmem:v4+s5+$0x0], $0xffff  }
0x147: {  	v5 =	vld.idx.msk [tilespmem:v5+s5+$0x0], $0xffff  }
0x148: {  	[tilespmem:s20+$0xFFFFFF10] =	vst v0;
	v7 =	vld.idx.msk [tilespmem:v7+s5+$0x0], $0xffff  }
0x149: {  	v14 =	vld.idx.msk [tilespmem:v14+s5+$0x0], $0xffff;
	[tilespmem:s20+$0xFFFFFF20] =	vst v1  }
0x14a: {  	[tilespmem:s20+$0xFFFFFF30] =	vst v2;
	v8 =	vld.idx.msk [tilespmem:v8+s5+$0x0], $0xffff  }
0x14b: {  	[tilespmem:s20+$0xFFFFFF40] =	vst v3;
	v0 =	vld.idx.msk [tilespmem:v9+s5+$0x0], $0xffff  }
.Ltmp6:
0x14c: {  	[tilespmem:s20+$0xFFFFFF50] =	vst v4;
	v1 =	vld.idx.msk [tilespmem:v10+s5+$0x0], $0xffff;
	(pc) =	sbr.rel @p0 .LBB2_15-.Ltmp6, $4  }
0x14d: {  	[tilespmem:s20+$0xFFFFFF60] =	vst v5;
	v2 =	vld.idx.msk [tilespmem:v11+s5+$0x0], $0xffff  }
0x14e: {  	[tilespmem:s20+$0xFFFFFF70] =	vst v7;
	v3 =	vld.idx.msk [tilespmem:v12+s5+$0x0], $0xffff  }
0x14f: {  	[tilespmem:s20+$0xFFFFFF00] =	vst v14;
	v4 =	vld.idx.msk [tilespmem:v13+s5+$0x0], $0xffff  }
0x150: {  	s22 =	sadd.s32 $0x100, s22;
	[tilespmem:s20+$0x0] =	vst v8;
	v5 =	vld.idx.msk [tilespmem:v6+s5+$0x0], $0xffff  }
0x151: {  	[tilespmem:s20+$0x10] =	vst v0  }
0x152: {  	[tilespmem:s20+$0x20] =	vst v1  }
0x153: {  	[tilespmem:s20+$0x30] =	vst v2  }
0x154: {  	[tilespmem:s20+$0x40] =	vst v3  }
0x155: {  	s19 =	sadd.s32 s19, s9;
	s21 =	simm.s32 $0x1C780;
	[tilespmem:s20+$0x50] =	vst v4  }
0x156: {  	s22 =	simm.s32 $0x1C880;
	s23 =	sadd.s32 $0x0, s19;
	[tilespmem:s20+$0x60] =	vst v5;
	s20 =	simm.s32 $0x80  }
.LBB2_17:
0x157: {  	[hbm4b:s23+s5] =	stream.linear.scatter [tilespmem:s21], [sflag:$0x2], $0x80, $0x38;
	[tilespmem:$0x1E700] =	vst v63  }
0x158: {  	s23 =	smov.u32 s20;
	s21 =	smov.u32 s22;
	p0 =	sne.s32 s20, $0xF80  }
.Ltmp7:
0x159: {  	s20 =	sadd.s32 $0x80, s20;
	(pc) =	sbr.rel @p0 .LBB2_17-.Ltmp7, $2  }
0x15a: {  	_ =	sdelay $0x2  }
0x15b: {  	s22 =	sadd.s32 $0x100, s22;
	s23 =	sadd.s32 s23, s19  }
0x15c: {  	s17 =	sadd.s32 $0x1, s17  }
0x15d: {  	p0 =	sne.s32 s17, $0x1A  }
.Ltmp8:
0x15e: {  	_ = 	snop;
	(pc) =	sbr.rel @p0 .LBB2_2-.Ltmp8, $2  }
0x15f: {  	_ =	sdelay $0x2  }
0x160: {  	[hbm4b:s23+s5] =	stream.linear.scatter [tilespmem:s21], [sflag:$0x2], $0x80, $0x38;
	[tilespmem:$0x1E700] =	vst v63  }
0x161: {  	s16 =	sadd.s32 $0x1, s16  }
0x162: {  	_ =	swait.ge [sflag:s14], $0x1000;
	p0 =	sne.s32 s16, s10  }
.Ltmp9:
0x163: {  	[sflag:s14] =	ssyncset.done $0x0;
	(pc) =	sbr.rel @p0 .LBB2_1-.Ltmp9, $4  }
0x164: {  	[sflag:s14] =	ssyncadd.s32 $0xFFFFF000  }
0x165: {  	_ =	swait.ge [sflag:s15], $0x1000  }
0x166: {  	[sflag:s15] =	ssyncset.done $0x0  }
0x167: {  	[sflag:s15] =	ssyncadd.s32 $0xFFFFF000  }
0x168: {  	_ =	sfence.sel $0x180000  }
0x169: {  	[bflag:$0x0] =	sbarrier.arrive $0xFFFF  }
0x16a: {  	p0 =	sne.s32 s3, $0x0;
	_ =	strace $0x90000047  }
0x16b: {  	s0 =	sadd.s32 @!p0 $0x100000, s0;
	[bflag:$0x2] =	sbarrier.arrive $0xFFFF  }
0x16c: {  	[sflag:s0] =	ssyncadd.tile.s32 @!p0 $0x1;
	_ =	shalt  }
.Lfunc_end2:
_tile_overlayer_lowered:
.L_overlay_start_2:
0x16d: {  	(tag) =	ssettag $0x2  }
0x16e: {  	s0 =	rddreg [dreg:$0x0];
	s2 =	stileid.u32  }
0x16f: {  	s1 =	rddreg [dreg:$0x1];
	p0 =	sne.s32 s2, $0x0  }
0x170: {  	s3 =	rddreg [dreg:$0x2];
	[bflag:$0x3] =	sbarrier.arrive $0xFFFF;
	s2 =	simm.s32 @!p0 $0x1C03  }
0x171: {  	[timem:s3], [sflag:s2] =	dma.local @!p0 [hbm:s0], s1  }
0x172: {  	s0 =	simm.s32 @!p0 $0x3  }
0x173: {  	_ =	swait.ge @!p0 [sflag:s0], s1  }
0x174: {  	s1 =	ssub.s32 @!p0 $0x0, s1;
	[sflag:s0] =	ssyncset.done @!p0 $0x0  }
0x175: {  	[sflag:s0] =	ssyncadd.s32 @!p0 s1  }
0x176: {  	[bflag:$0x3] =	sbarrier.arrive $0xFFFF  }
0x177: {  	_ =	shalt  }

</sc_bundles>
